<compile_context>
chip_gen: v7x
topology: tpu7x:2x2x1
jax: 0.10.2.dev20260603
libtpu: 0.0.44.dev20260713+nightly
codegen_flags: <defaults>
</compile_context>

<pallas_src>
import functools

import jax
import jax.numpy as jnp
from jax import lax
from jax.experimental import pallas as pl
from jax.experimental.pallas import tpu as pltpu
from jax.experimental.pallas import tpu_sc as plsc

D = 768
SEQ = 20
NKEY = 4 * 2 * SEQ
NC, NS = 2, 16
NW = NC * NS
CHUNK = 32


def _lut_body(xt_ref, st_ref, tok_ref, pos_ref, seg_t_ref, gamma_ref, beta_ref,
              lut_ref, idx_ref):
    l_iota = lax.broadcasted_iota(jnp.int32, xt_ref.shape, 0)
    idx_ref[...] = xt_ref[...] * (2 * SEQ) + st_ref[...] * SEQ + l_iota

    r = lax.broadcasted_iota(jnp.int32, (NKEY, 1), 0)
    oh_v = (r // (2 * SEQ) == lax.broadcasted_iota(jnp.int32, (NKEY, 4), 1)).astype(jnp.float32)
    oh_s = ((r % (2 * SEQ)) // SEQ == lax.broadcasted_iota(jnp.int32, (NKEY, 2), 1)).astype(jnp.float32)
    oh_l = (r % SEQ == lax.broadcasted_iota(jnp.int32, (NKEY, SEQ), 1)).astype(jnp.float32)
    hi = lax.Precision.HIGHEST
    emb = (jnp.dot(oh_v, tok_ref[...], preferred_element_type=jnp.float32, precision=hi)
           + jnp.dot(oh_s, seg_t_ref[...], preferred_element_type=jnp.float32, precision=hi)
           + jnp.dot(oh_l, pos_ref[0:SEQ, :], preferred_element_type=jnp.float32, precision=hi))
    mean = jnp.mean(emb, axis=-1, keepdims=True)
    c = emb - mean
    var = jnp.mean(c * c, axis=-1, keepdims=True)
    inv = lax.rsqrt(var + 1e-5)
    lut = c * inv * gamma_ref[0, :][None, :] + beta_ref[0, :][None, :]
    lut_ref[...] = lut.astype(jnp.bfloat16)


def _build_lut_and_idx(xt, st, tok_table, pos_table, seg_table, gamma, beta):
    seq_len, b = xt.shape
    d = tok_table.shape[1]
    return pl.pallas_call(
        _lut_body,
        in_specs=[
            pl.BlockSpec(xt.shape, lambda: (0, 0)),
            pl.BlockSpec(st.shape, lambda: (0, 0)),
            pl.BlockSpec(tok_table.shape, lambda: (0, 0)),
            pl.BlockSpec(pos_table.shape, lambda: (0, 0)),
            pl.BlockSpec(seg_table.shape, lambda: (0, 0)),
            pl.BlockSpec((1, d), lambda: (0, 0)),
            pl.BlockSpec((1, d), lambda: (0, 0)),
        ],
        out_specs=[
            pl.BlockSpec((NKEY, d), lambda: (0, 0)),
            pl.BlockSpec((seq_len, b), lambda: (0, 0)),
        ],
        out_shape=[
            jax.ShapeDtypeStruct((NKEY, d), jnp.bfloat16),
            jax.ShapeDtypeStruct((seq_len, b), jnp.int32),
        ],
    )(xt, st, tok_table, pos_table, seg_table,
      gamma.reshape(1, d), beta.reshape(1, d))


def _sc_expand(lut_packed, idx_flat, batch):
    n = idx_flat.shape[0]
    rows_per_w = n // NW
    n_chunks = rows_per_w // CHUNK
    mesh = plsc.VectorSubcoreMesh(core_axis_name="c", subcore_axis_name="s",
                                  num_cores=NC, num_subcores=NS)

    @functools.partial(
        pl.kernel,
        mesh=mesh,
        compiler_params=pltpu.CompilerParams(use_tc_tiling_on_sc=False,
                                             needs_layout_passes=False),
        out_type=jax.ShapeDtypeStruct((SEQ, batch, D), jnp.float32),
        scratch_types=[
            pltpu.VMEM((NKEY, D // 2 + 1), jnp.int32),
            pltpu.VMEM((rows_per_w,), jnp.int32),
            pltpu.VMEM((CHUNK, D + 1), jnp.float32),
            pltpu.VMEM((CHUNK, D + 1), jnp.float32),
            pltpu.SemaphoreType.DMA,
            pltpu.SemaphoreType.DMA,
        ],
    )
    def k(lut_hbm, idx_hbm, out_hbm, lut_v, idx_v, buf0, buf1, ss0, ss1):
        wid = lax.axis_index("s") * NC + lax.axis_index("c")
        base = wid * rows_per_w

        pltpu.sync_copy(lut_hbm, lut_v)
        pltpu.sync_copy(idx_hbm.at[pl.ds(base, rows_per_w)], idx_v)

        bufs = (buf0, buf1)
        ss = (ss0, ss1)
        iota16 = lax.broadcasted_iota(jnp.int32, (16,), 0)

        def assemble(g, p):
            for grp in range(CHUNK // 16):
                keys = idx_v[pl.ds(g * CHUNK + grp * 16, 16)]
                rows16 = iota16 + grp * 16

                @plsc.parallel_loop(0, D // 2, unroll=8)
                def wbody(w):
                    wv = jnp.full((16,), w, jnp.int32) ^ iota16
                    packed = plsc.load_gather(lut_v, [keys, wv])
                    two = plsc.bitcast(packed, jnp.bfloat16)
                    a, b = plsc.unpack(two, format=plsc.PackFormat.INTERLEAVED,
                                       preferred_element_type=jnp.float32)
                    plsc.store_scatter(bufs[p], [rows16, 2 * wv], a)
                    plsc.store_scatter(bufs[p], [rows16, 2 * wv + 1], b)

        def _dst(g):
            r0 = base + g * CHUNK
            return out_hbm.at[r0 // batch, pl.ds(r0 % batch, CHUNK)]

        def store(g, p):
            return pltpu.async_copy(
                bufs[p].at[pl.ds(0, CHUNK), pl.ds(0, D)], _dst(g), ss[p])

        def wait_store(g, p):
            pltpu.make_async_copy(
                bufs[p].at[pl.ds(0, CHUNK), pl.ds(0, D)], _dst(g),
                ss[p]).wait()

        def body(h, carry):
            for p in (0, 1):
                g = 2 * h + p

                @pl.when(h > 0)
                def _():
                    wait_store(g - 2, p)

                assemble(g, p)
                store(g, p)
            return carry

        lax.fori_loop(0, n_chunks // 2, body, 0)
        for p in (0, 1):
            wait_store(n_chunks - 2 + p, p)

    return k(lut_packed, idx_flat)


def kernel(x, seg, tok_table, pos_table, seg_table, gamma, beta):
    b, seq_len = x.shape
    d = tok_table.shape[1]
    lut_bf, idx_t = _build_lut_and_idx(x.T, seg.T, tok_table, pos_table,
                                       seg_table, gamma, beta)
    lut_packed = lax.bitcast_convert_type(
        lut_bf.reshape(NKEY, d // 2, 2), jnp.int32)
    lut_packed = jnp.pad(lut_packed, ((0, 0), (0, 1)))
    out_t = _sc_expand(lut_packed, idx_t.reshape(-1), b)
    return out_t.transpose(1, 0, 2)

# --- scband reference (transcript-rebuilt; emitter-appended) ---
"""Pipeline reference for scband-embedding-49435073577648 (READ-ONLY COPY).

The authoritative reference and input builder live on the scoring server;
editing this copy changes nothing except your own understanding.
"""

import jax, jax.numpy as jnp
import numpy as np

d_model = 768
maxlen = 30
vocab_size = 4
n_segments = 2
B, L = 16384, 20


def setup_inputs(seed: int = 0) -> dict:
    key = jax.random.key(seed)
    ks = jax.random.split(key, 7)
    x = jax.random.randint(ks[0], (B, L), 0, vocab_size, dtype=jnp.int32)
    seg = jax.random.randint(ks[1], (B, L), 0, n_segments, dtype=jnp.int32)
    tok_table = jax.random.normal(ks[2], (vocab_size, d_model), dtype=jnp.float32) * 0.02
    pos_table = jax.random.normal(ks[3], (maxlen, d_model), dtype=jnp.float32) * 0.02
    seg_table = jax.random.normal(ks[4], (n_segments, d_model), dtype=jnp.float32) * 0.02
    gamma = jnp.ones((d_model,), dtype=jnp.float32)
    beta = jnp.zeros((d_model,), dtype=jnp.float32)
    return {"x": x, "seg": seg, "tok_table": tok_table, "pos_table": pos_table, "seg_table": seg_table, "gamma": gamma, "beta": beta}


def _layer_norm(h, gamma, beta, eps=1e-5):
    mean = jnp.mean(h, axis=-1, keepdims=True)
    var = jnp.mean((h - mean) ** 2, axis=-1, keepdims=True)
    return (h - mean) / jnp.sqrt(var + eps) * gamma + beta


def reference(x, seg, tok_table, pos_table, seg_table, gamma, beta):
    seq_len = x.shape[1]
    pos = jnp.broadcast_to(jnp.arange(seq_len, dtype=jnp.int32)[None, :], x.shape)
    embedding = jnp.take(tok_table, x, axis=0) + jnp.take(pos_table, pos, axis=0) + jnp.take(seg_table, seg, axis=0)
    return _layer_norm(embedding, gamma, beta)

if __name__ == "__main__":
    import jax
    _d = setup_inputs()
    print(jax.jit(kernel)(*tuple(_d.values())))

</pallas_src>

<mosaic_0001>
#map = affine_map<(d0, d1) -> (0, 0)>
#map1 = affine_map<(d0, d1) -> (0)>
#map2 = affine_map<(d0, d1) -> (0, 0, 0)>
module attributes {stable_mosaic.version = 14 : i64} {
  func.func @k(%arg0: i32, %arg1: i32, %arg2: memref<160x385xi32, #tpu.memory_space<hbm>>, %arg3: memref<327680xi32, #tpu.memory_space<hbm>>, %arg4: memref<20x16384x768xf32, #tpu.memory_space<hbm>>, %arg5: memref<160x385xi32, #tpu.memory_space<vmem>>, %arg6: memref<10240xi32, #tpu.memory_space<vmem>>, %arg7: memref<32x769xf32, #tpu.memory_space<vmem>>, %arg8: memref<32x769xf32, #tpu.memory_space<vmem>>, %arg9: memref<!tpu.dma_semaphore, #tpu.memory_space<semaphore_mem>>, %arg10: memref<!tpu.dma_semaphore, #tpu.memory_space<semaphore_mem>>) attributes {dimension_semantics = [#tpu.dimension_semantics<core_parallel>, #tpu.dimension_semantics<subcore_parallel>], iteration_bounds = array<i64: 2, 16>, scalar_prefetch = 0 : i64, scratch_operands = 6 : i64, tpu.core_type = #tpu.core_type<sc_vector_subcore>, window_params = [{transform_indices = #map}, {transform_indices = #map1}, {transform_indices = #map2}]} {
    %mul3A = arith.constant 2 : i32
    %mul3A_0 = arith.muli %arg1, %mul3A : i32
    %add3A = arith.addi %mul3A_0, %arg0 : i32
    %mul3A_1 = arith.constant 10240 : i32
    %mul3A_2 = arith.muli %add3A, %mul3A_1 : i32
    "tpu.region"() ({
      %run_scoped3A = tpu.sem_alloc : memref<!tpu.dma_semaphore, #tpu.memory_space<semaphore_mem>>
      tpu.enqueue_dma source(%arg2 : memref<160x385xi32, #tpu.memory_space<hbm>>) target(%arg5 : memref<160x385xi32, #tpu.memory_space<vmem>>) target_semaphore(%run_scoped3A : memref<!tpu.dma_semaphore, #tpu.memory_space<semaphore_mem>>)
      tpu.wait_dma2 semaphore(%run_scoped3A : memref<!tpu.dma_semaphore, #tpu.memory_space<semaphore_mem>>) src(%arg2 : memref<160x385xi32, #tpu.memory_space<hbm>>) dst(%arg5 : memref<160x385xi32, #tpu.memory_space<vmem>>)
      tpu.yield
    }) : () -> ()
    "tpu.region"() ({
      %run_scoped3A = tpu.sem_alloc : memref<!tpu.dma_semaphore, #tpu.memory_space<semaphore_mem>>
      %dma_start3A = tpu.memref_slice %arg3[%mul3A_2] : memref<327680xi32, #tpu.memory_space<hbm>> -> memref<10240xi32, #tpu.memory_space<hbm>>
      %dma_start3A_105 = tpu.memref_slice %arg3[%mul3A_2] : memref<327680xi32, #tpu.memory_space<hbm>> -> memref<10240xi32, #tpu.memory_space<hbm>>
      tpu.enqueue_dma source(%dma_start3A_105 : memref<10240xi32, #tpu.memory_space<hbm>>) target(%arg6 : memref<10240xi32, #tpu.memory_space<vmem>>) target_semaphore(%run_scoped3A : memref<!tpu.dma_semaphore, #tpu.memory_space<semaphore_mem>>)
      %dma_wait3A_106 = tpu.memref_slice %arg3[%mul3A_2] : memref<327680xi32, #tpu.memory_space<hbm>> -> memref<10240xi32, #tpu.memory_space<hbm>>
      %dma_wait3A_107 = tpu.memref_slice %arg3[%mul3A_2] : memref<327680xi32, #tpu.memory_space<hbm>> -> memref<10240xi32, #tpu.memory_space<hbm>>
      tpu.wait_dma2 semaphore(%run_scoped3A : memref<!tpu.dma_semaphore, #tpu.memory_space<semaphore_mem>>) src(%dma_wait3A_107 : memref<10240xi32, #tpu.memory_space<hbm>>) dst(%arg6 : memref<10240xi32, #tpu.memory_space<vmem>>)
      tpu.yield
    }) : () -> ()
    %iota3A = tpu.iota {dimensions = array<i32: 0>} : vector<16xi32>
    %scan3A = arith.constant 0 : i32
    %scan3A_3 = arith.constant 0 : i32
    %scan3A_4 = arith.constant 160 : i32
    %scan3A_5 = arith.addi %scan3A_3, %scan3A_4 : i32
    %scan3A_6 = arith.constant 1 : i32
    scf.for %scan3A_105 = %scan3A_3 to %scan3A_5 step %scan3A_6  : i32 {
      %mul3A_106 = arith.constant 2 : i32
      %mul3A_107 = arith.muli %mul3A_106, %scan3A_105 : i32
      %add3A_108 = arith.constant 0 : i32
      %add3A_109 = arith.addi %mul3A_107, %add3A_108 : i32
      %gt3A = arith.constant 0 : i32
      %gt3A_110 = arith.cmpi sgt, %scan3A_105, %gt3A : i32
      %convert_element_type3A = arith.extui %gt3A_110 : i1 to i32
      %cond3A = arith.constant 0 : i32
      %cond3A_111 = arith.cmpi ne, %convert_element_type3A, %cond3A : i32
      scf.if %cond3A_111 {
        %sub3A_276 = arith.constant 2 : i32
        %sub3A_277 = arith.subi %add3A_109, %sub3A_276 : i32
        %mul3A_278 = arith.constant 32 : i32
        %mul3A_279 = arith.muli %sub3A_277, %mul3A_278 : i32
        %add3A_280 = arith.addi %mul3A_2, %mul3A_279 : i32
        %jit3A_281 = arith.constant 16384 : i32
        %div3A_282 = arith.divsi %add3A_280, %jit3A_281 : i32
        %sign3A_283 = arith.constant 0 : i32
        %sign3A_284 = arith.cmpi sgt, %add3A_280, %sign3A_283 : i32
        %sign3A_285 = arith.extui %sign3A_284 : i1 to i32
        %sign3A_286 = arith.constant 0 : i32
        %sign3A_287 = arith.cmpi slt, %add3A_280, %sign3A_286 : i32
        %sign3A_288 = arith.extui %sign3A_287 : i1 to i32
        %sign3A_289 = arith.subi %sign3A_285, %sign3A_288 : i32
        %sign3A_290 = arith.constant 0 : i32
        %sign3A_291 = arith.cmpi sgt, %jit3A_281, %sign3A_290 : i32
        %sign3A_292 = arith.extui %sign3A_291 : i1 to i32
        %sign3A_293 = arith.constant 0 : i32
        %sign3A_294 = arith.cmpi slt, %jit3A_281, %sign3A_293 : i32
        %sign3A_295 = arith.extui %sign3A_294 : i1 to i32
        %sign3A_296 = arith.subi %sign3A_292, %sign3A_295 : i32
        %ne3A_297 = arith.cmpi ne, %sign3A_289, %sign3A_296 : i32
        %rem3A_298 = arith.remsi %add3A_280, %jit3A_281 : i32
        %ne3A_299 = arith.constant 0 : i32
        %ne3A_300 = arith.cmpi ne, %rem3A_298, %ne3A_299 : i32
        %and3A_301 = arith.andi %ne3A_297, %ne3A_300 : i1
        %sub3A_302 = arith.constant 1 : i32
        %sub3A_303 = arith.subi %div3A_282, %sub3A_302 : i32
        %select_n3A_304 = arith.select %and3A_301, %sub3A_303, %div3A_282 : i32
        %jit3A_305 = arith.constant 16384 : i32
        %eq3A_306 = arith.constant 0 : i32
        %eq3A_307 = arith.cmpi eq, %jit3A_305, %eq3A_306 : i32
        %jit3A_308 = arith.constant 1 : i32
        %select_n3A_309 = arith.select %eq3A_307, %jit3A_308, %jit3A_305 : i32
        %rem3A_310 = arith.remsi %add3A_280, %select_n3A_309 : i32
        %ne3A_311 = arith.constant 0 : i32
        %ne3A_312 = arith.cmpi ne, %rem3A_310, %ne3A_311 : i32
        %lt3A_313 = arith.constant 0 : i32
        %lt3A_314 = arith.cmpi slt, %rem3A_310, %lt3A_313 : i32
        %lt3A_315 = arith.constant 0 : i32
        %lt3A_316 = arith.cmpi slt, %select_n3A_309, %lt3A_315 : i32
        %ne3A_317 = arith.xori %lt3A_314, %lt3A_316 : i1
        %and3A_318 = arith.andi %ne3A_317, %ne3A_312 : i1
        %add3A_319 = arith.addi %rem3A_310, %select_n3A_309 : i32
        %select_n3A_320 = arith.select %and3A_318, %add3A_319, %rem3A_310 : i32
        %dma_wait3A_321 = arith.constant 0 : i32
        %dma_wait3A_322 = arith.constant 0 : i32
        %dma_wait3A_323 = tpu.memref_slice %arg7[%dma_wait3A_321, %dma_wait3A_322] : memref<32x769xf32, #tpu.memory_space<vmem>> -> memref<32x768xf32, #tpu.memory_space<vmem>>
        %dma_wait3A_324 = arith.constant 0 : i32
        %dma_wait3A_325 = tpu.memref_slice %arg4[%select_n3A_304, %select_n3A_320, %dma_wait3A_324] : memref<20x16384x768xf32, #tpu.memory_space<hbm>> -> memref<1x32x768xf32, #tpu.memory_space<hbm>>
        %dma_wait3A_326 = tpu.memref_squeeze %dma_wait3A_325 : memref<1x32x768xf32, #tpu.memory_space<hbm>> -> memref<32x768xf32, #tpu.memory_space<hbm>>
        %dma_wait3A_327 = arith.constant 0 : i32
        %dma_wait3A_328 = tpu.memref_slice %arg4[%select_n3A_304, %select_n3A_320, %dma_wait3A_327] : memref<20x16384x768xf32, #tpu.memory_space<hbm>> -> memref<1x32x768xf32, #tpu.memory_space<hbm>>
        %dma_wait3A_329 = tpu.memref_squeeze %dma_wait3A_328 : memref<1x32x768xf32, #tpu.memory_space<hbm>> -> memref<32x768xf32, #tpu.memory_space<hbm>>
        %dma_wait3A_330 = arith.constant 0 : i32
        %dma_wait3A_331 = arith.constant 0 : i32
        %dma_wait3A_332 = tpu.memref_slice %arg7[%dma_wait3A_330, %dma_wait3A_331] : memref<32x769xf32, #tpu.memory_space<vmem>> -> memref<32x768xf32, #tpu.memory_space<vmem>>
        tpu.wait_dma2 semaphore(%arg9 : memref<!tpu.dma_semaphore, #tpu.memory_space<semaphore_mem>>) src(%dma_wait3A_332 : memref<32x768xf32, #tpu.memory_space<vmem>>) dst(%dma_wait3A_329 : memref<32x768xf32, #tpu.memory_space<hbm>>)
      } else {
      }
      %mul3A_112 = arith.constant 32 : i32
      %mul3A_113 = arith.muli %add3A_109, %mul3A_112 : i32
      %add3A_114 = arith.constant 0 : i32
      %add3A_115 = arith.addi %mul3A_113, %add3A_114 : i32
      %get3A = arith.index_cast %add3A_115 : i32 to index
      %get3A_116 = tpu.vector_load %arg6[%get3A] {strides = array<i32>} : memref<10240xi32, #tpu.memory_space<vmem>>, vector<16xi32>,
      %add3A_117 = arith.constant 0 : i32
      %add3A_118 = vector.broadcast %add3A_117 : i32 to vector<16xi32>
      %add3A_119 = arith.addi %iota3A, %add3A_118 : vector<16xi32>
      %parallel_loop3A = arith.constant 0 : i32
      %parallel_loop3A_120 = arith.constant 384 : i32
      %parallel_loop3A_121 = arith.constant 1 : i32
      scf.for %parallel_loop3A_276 = %parallel_loop3A to %parallel_loop3A_120 step %parallel_loop3A_121  : i32 {
        %parallel_loop3A_277 = vector.broadcast %parallel_loop3A_276 : i32 to vector<16xi32>
        %parallel_loop3A_278 = arith.xori %parallel_loop3A_277, %iota3A : vector<16xi32>
        %parallel_loop3A_279 = tpu.vector_load_idx %arg5[%get3A_116, %parallel_loop3A_278] : memref<160x385xi32, #tpu.memory_space<vmem>>[vector<16xi32>, vector<16xi32>], vector<16xi32>,
        %parallel_loop3A_280 = vector.bitcast %parallel_loop3A_279 : vector<16xi32> to vector<32xbf16>
        %parallel_loop3A_281 = tpu.unpack_subelements %parallel_loop3A_280, 0 {pack_format = #tpu.pack_format<interleaved>} : vector<32xbf16> -> vector<16xf32>
        %parallel_loop3A_282 = tpu.unpack_subelements %parallel_loop3A_280, 1 {pack_format = #tpu.pack_format<interleaved>} : vector<32xbf16> -> vector<16xf32>
        %parallel_loop3A_283 = arith.constant 2 : i32
        %parallel_loop3A_284 = vector.broadcast %parallel_loop3A_283 : i32 to vector<16xi32>
        %parallel_loop3A_285 = arith.muli %parallel_loop3A_284, %parallel_loop3A_278 : vector<16xi32>
        tpu.vector_store_idx %arg7[%add3A_119, %parallel_loop3A_285], %parallel_loop3A_281 : memref<32x769xf32, #tpu.memory_space<vmem>>[vector<16xi32>, vector<16xi32>], vector<16xf32>,
        %parallel_loop3A_286 = arith.constant 2 : i32
        %parallel_loop3A_287 = vector.broadcast %parallel_loop3A_286 : i32 to vector<16xi32>
        %parallel_loop3A_288 = arith.muli %parallel_loop3A_287, %parallel_loop3A_278 : vector<16xi32>
        %parallel_loop3A_289 = arith.constant 1 : i32
        %parallel_loop3A_290 = vector.broadcast %parallel_loop3A_289 : i32 to vector<16xi32>
        %parallel_loop3A_291 = arith.addi %parallel_loop3A_288, %parallel_loop3A_290 : vector<16xi32>
        tpu.vector_store_idx %arg7[%add3A_119, %parallel_loop3A_291], %parallel_loop3A_282 : memref<32x769xf32, #tpu.memory_space<vmem>>[vector<16xi32>, vector<16xi32>], vector<16xf32>,
      } {sc.loop_unroll_factor = 8 : i64, sc.parallel_access}
      %mul3A_122 = arith.constant 32 : i32
      %mul3A_123 = arith.muli %add3A_109, %mul3A_122 : i32
      %add3A_124 = arith.constant 16 : i32
      %add3A_125 = arith.addi %mul3A_123, %add3A_124 : i32
      %get3A_126 = arith.index_cast %add3A_125 : i32 to index
      %get3A_127 = tpu.vector_load %arg6[%get3A_126] {strides = array<i32>} : memref<10240xi32, #tpu.memory_space<vmem>>, vector<16xi32>,
      %add3A_128 = arith.constant 16 : i32
      %add3A_129 = vector.broadcast %add3A_128 : i32 to vector<16xi32>
      %add3A_130 = arith.addi %iota3A, %add3A_129 : vector<16xi32>
      %parallel_loop3A_131 = arith.constant 0 : i32
      %parallel_loop3A_132 = arith.constant 384 : i32
      %parallel_loop3A_133 = arith.constant 1 : i32
      scf.for %parallel_loop3A_276 = %parallel_loop3A_131 to %parallel_loop3A_132 step %parallel_loop3A_133  : i32 {
        %parallel_loop3A_277 = vector.broadcast %parallel_loop3A_276 : i32 to vector<16xi32>
        %parallel_loop3A_278 = arith.xori %parallel_loop3A_277, %iota3A : vector<16xi32>
        %parallel_loop3A_279 = tpu.vector_load_idx %arg5[%get3A_127, %parallel_loop3A_278] : memref<160x385xi32, #tpu.memory_space<vmem>>[vector<16xi32>, vector<16xi32>], vector<16xi32>,
        %parallel_loop3A_280 = vector.bitcast %parallel_loop3A_279 : vector<16xi32> to vector<32xbf16>
        %parallel_loop3A_281 = tpu.unpack_subelements %parallel_loop3A_280, 0 {pack_format = #tpu.pack_format<interleaved>} : vector<32xbf16> -> vector<16xf32>
        %parallel_loop3A_282 = tpu.unpack_subelements %parallel_loop3A_280, 1 {pack_format = #tpu.pack_format<interleaved>} : vector<32xbf16> -> vector<16xf32>
        %parallel_loop3A_283 = arith.constant 2 : i32
        %parallel_loop3A_284 = vector.broadcast %parallel_loop3A_283 : i32 to vector<16xi32>
        %parallel_loop3A_285 = arith.muli %parallel_loop3A_284, %parallel_loop3A_278 : vector<16xi32>
        tpu.vector_store_idx %arg7[%add3A_130, %parallel_loop3A_285], %parallel_loop3A_281 : memref<32x769xf32, #tpu.memory_space<vmem>>[vector<16xi32>, vector<16xi32>], vector<16xf32>,
        %parallel_loop3A_286 = arith.constant 2 : i32
        %parallel_loop3A_287 = vector.broadcast %parallel_loop3A_286 : i32 to vector<16xi32>
        %parallel_loop3A_288 = arith.muli %parallel_loop3A_287, %parallel_loop3A_278 : vector<16xi32>
        %parallel_loop3A_289 = arith.constant 1 : i32
        %parallel_loop3A_290 = vector.broadcast %parallel_loop3A_289 : i32 to vector<16xi32>
        %parallel_loop3A_291 = arith.addi %parallel_loop3A_288, %parallel_loop3A_290 : vector<16xi32>
        tpu.vector_store_idx %arg7[%add3A_130, %parallel_loop3A_291], %parallel_loop3A_282 : memref<32x769xf32, #tpu.memory_space<vmem>>[vector<16xi32>, vector<16xi32>], vector<16xf32>,
      } {sc.loop_unroll_factor = 8 : i64, sc.parallel_access}
      %mul3A_134 = arith.constant 32 : i32
      %mul3A_135 = arith.muli %add3A_109, %mul3A_134 : i32
      %add3A_136 = arith.addi %mul3A_2, %mul3A_135 : i32
      %jit3A_137 = arith.constant 16384 : i32
      %div3A_138 = arith.divsi %add3A_136, %jit3A_137 : i32
      %sign3A_139 = arith.constant 0 : i32
      %sign3A_140 = arith.cmpi sgt, %add3A_136, %sign3A_139 : i32
      %sign3A_141 = arith.extui %sign3A_140 : i1 to i32
      %sign3A_142 = arith.constant 0 : i32
      %sign3A_143 = arith.cmpi slt, %add3A_136, %sign3A_142 : i32
      %sign3A_144 = arith.extui %sign3A_143 : i1 to i32
      %sign3A_145 = arith.subi %sign3A_141, %sign3A_144 : i32
      %sign3A_146 = arith.constant 0 : i32
      %sign3A_147 = arith.cmpi sgt, %jit3A_137, %sign3A_146 : i32
      %sign3A_148 = arith.extui %sign3A_147 : i1 to i32
      %sign3A_149 = arith.constant 0 : i32
      %sign3A_150 = arith.cmpi slt, %jit3A_137, %sign3A_149 : i32
      %sign3A_151 = arith.extui %sign3A_150 : i1 to i32
      %sign3A_152 = arith.subi %sign3A_148, %sign3A_151 : i32
      %ne3A_153 = arith.cmpi ne, %sign3A_145, %sign3A_152 : i32
      %rem3A_154 = arith.remsi %add3A_136, %jit3A_137 : i32
      %ne3A_155 = arith.constant 0 : i32
      %ne3A_156 = arith.cmpi ne, %rem3A_154, %ne3A_155 : i32
      %and3A_157 = arith.andi %ne3A_153, %ne3A_156 : i1
      %sub3A_158 = arith.constant 1 : i32
      %sub3A_159 = arith.subi %div3A_138, %sub3A_158 : i32
      %select_n3A_160 = arith.select %and3A_157, %sub3A_159, %div3A_138 : i32
      %jit3A_161 = arith.constant 16384 : i32
      %eq3A_162 = arith.constant 0 : i32
      %eq3A_163 = arith.cmpi eq, %jit3A_161, %eq3A_162 : i32
      %jit3A_164 = arith.constant 1 : i32
      %select_n3A_165 = arith.select %eq3A_163, %jit3A_164, %jit3A_161 : i32
      %rem3A_166 = arith.remsi %add3A_136, %select_n3A_165 : i32
      %ne3A_167 = arith.constant 0 : i32
      %ne3A_168 = arith.cmpi ne, %rem3A_166, %ne3A_167 : i32
      %lt3A_169 = arith.constant 0 : i32
      %lt3A_170 = arith.cmpi slt, %rem3A_166, %lt3A_169 : i32
      %lt3A_171 = arith.constant 0 : i32
      %lt3A_172 = arith.cmpi slt, %select_n3A_165, %lt3A_171 : i32
      %ne3A_173 = arith.xori %lt3A_170, %lt3A_172 : i1
      %and3A_174 = arith.andi %ne3A_173, %ne3A_168 : i1
      %add3A_175 = arith.addi %rem3A_166, %select_n3A_165 : i32
      %select_n3A_176 = arith.select %and3A_174, %add3A_175, %rem3A_166 : i32
      %dma_start3A = arith.constant 0 : i32
      %dma_start3A_177 = arith.constant 0 : i32
      %dma_start3A_178 = tpu.memref_slice %arg7[%dma_start3A, %dma_start3A_177] : memref<32x769xf32, #tpu.memory_space<vmem>> -> memref<32x768xf32, #tpu.memory_space<vmem>>
      %dma_start3A_179 = arith.constant 0 : i32
      %dma_start3A_180 = tpu.memref_slice %arg4[%select_n3A_160, %select_n3A_176, %dma_start3A_179] : memref<20x16384x768xf32, #tpu.memory_space<hbm>> -> memref<1x32x768xf32, #tpu.memory_space<hbm>>
      %dma_start3A_181 = tpu.memref_squeeze %dma_start3A_180 : memref<1x32x768xf32, #tpu.memory_space<hbm>> -> memref<32x768xf32, #tpu.memory_space<hbm>>
      %dma_start3A_182 = arith.constant 0 : i32
      %dma_start3A_183 = tpu.memref_slice %arg4[%select_n3A_160, %select_n3A_176, %dma_start3A_182] : memref<20x16384x768xf32, #tpu.memory_space<hbm>> -> memref<1x32x768xf32, #tpu.memory_space<hbm>>
      %dma_start3A_184 = tpu.memref_squeeze %dma_start3A_183 : memref<1x32x768xf32, #tpu.memory_space<hbm>> -> memref<32x768xf32, #tpu.memory_space<hbm>>
      %dma_start3A_185 = arith.constant 0 : i32
      %dma_start3A_186 = arith.constant 0 : i32
      %dma_start3A_187 = tpu.memref_slice %arg7[%dma_start3A_185, %dma_start3A_186] : memref<32x769xf32, #tpu.memory_space<vmem>> -> memref<32x768xf32, #tpu.memory_space<vmem>>
      tpu.enqueue_dma source(%dma_start3A_187 : memref<32x768xf32, #tpu.memory_space<vmem>>) target(%dma_start3A_184 : memref<32x768xf32, #tpu.memory_space<hbm>>) target_semaphore(%arg9 : memref<!tpu.dma_semaphore, #tpu.memory_space<semaphore_mem>>)
      %mul3A_188 = arith.constant 2 : i32
      %mul3A_189 = arith.muli %mul3A_188, %scan3A_105 : i32
      %add3A_190 = arith.constant 1 : i32
      %add3A_191 = arith.addi %mul3A_189, %add3A_190 : i32
      %gt3A_192 = arith.constant 0 : i32
      %gt3A_193 = arith.cmpi sgt, %scan3A_105, %gt3A_192 : i32
      %convert_element_type3A_194 = arith.extui %gt3A_193 : i1 to i32
      %cond3A_195 = arith.constant 0 : i32
      %cond3A_196 = arith.cmpi ne, %convert_element_type3A_194, %cond3A_195 : i32
      scf.if %cond3A_196 {
        %sub3A_276 = arith.constant 2 : i32
        %sub3A_277 = arith.subi %add3A_191, %sub3A_276 : i32
        %mul3A_278 = arith.constant 32 : i32
        %mul3A_279 = arith.muli %sub3A_277, %mul3A_278 : i32
        %add3A_280 = arith.addi %mul3A_2, %mul3A_279 : i32
        %jit3A_281 = arith.constant 16384 : i32
        %div3A_282 = arith.divsi %add3A_280, %jit3A_281 : i32
        %sign3A_283 = arith.constant 0 : i32
        %sign3A_284 = arith.cmpi sgt, %add3A_280, %sign3A_283 : i32
        %sign3A_285 = arith.extui %sign3A_284 : i1 to i32
        %sign3A_286 = arith.constant 0 : i32
        %sign3A_287 = arith.cmpi slt, %add3A_280, %sign3A_286 : i32
        %sign3A_288 = arith.extui %sign3A_287 : i1 to i32
        %sign3A_289 = arith.subi %sign3A_285, %sign3A_288 : i32
        %sign3A_290 = arith.constant 0 : i32
        %sign3A_291 = arith.cmpi sgt, %jit3A_281, %sign3A_290 : i32
        %sign3A_292 = arith.extui %sign3A_291 : i1 to i32
        %sign3A_293 = arith.constant 0 : i32
        %sign3A_294 = arith.cmpi slt, %jit3A_281, %sign3A_293 : i32
        %sign3A_295 = arith.extui %sign3A_294 : i1 to i32
        %sign3A_296 = arith.subi %sign3A_292, %sign3A_295 : i32
        %ne3A_297 = arith.cmpi ne, %sign3A_289, %sign3A_296 : i32
        %rem3A_298 = arith.remsi %add3A_280, %jit3A_281 : i32
        %ne3A_299 = arith.constant 0 : i32
        %ne3A_300 = arith.cmpi ne, %rem3A_298, %ne3A_299 : i32
        %and3A_301 = arith.andi %ne3A_297, %ne3A_300 : i1
        %sub3A_302 = arith.constant 1 : i32
        %sub3A_303 = arith.subi %div3A_282, %sub3A_302 : i32
        %select_n3A_304 = arith.select %and3A_301, %sub3A_303, %div3A_282 : i32
        %jit3A_305 = arith.constant 16384 : i32
        %eq3A_306 = arith.constant 0 : i32
        %eq3A_307 = arith.cmpi eq, %jit3A_305, %eq3A_306 : i32
        %jit3A_308 = arith.constant 1 : i32
        %select_n3A_309 = arith.select %eq3A_307, %jit3A_308, %jit3A_305 : i32
        %rem3A_310 = arith.remsi %add3A_280, %select_n3A_309 : i32
        %ne3A_311 = arith.constant 0 : i32
        %ne3A_312 = arith.cmpi ne, %rem3A_310, %ne3A_311 : i32
        %lt3A_313 = arith.constant 0 : i32
        %lt3A_314 = arith.cmpi slt, %rem3A_310, %lt3A_313 : i32
        %lt3A_315 = arith.constant 0 : i32
        %lt3A_316 = arith.cmpi slt, %select_n3A_309, %lt3A_315 : i32
        %ne3A_317 = arith.xori %lt3A_314, %lt3A_316 : i1
        %and3A_318 = arith.andi %ne3A_317, %ne3A_312 : i1
        %add3A_319 = arith.addi %rem3A_310, %select_n3A_309 : i32
        %select_n3A_320 = arith.select %and3A_318, %add3A_319, %rem3A_310 : i32
        %dma_wait3A_321 = arith.constant 0 : i32
        %dma_wait3A_322 = arith.constant 0 : i32
        %dma_wait3A_323 = tpu.memref_slice %arg8[%dma_wait3A_321, %dma_wait3A_322] : memref<32x769xf32, #tpu.memory_space<vmem>> -> memref<32x768xf32, #tpu.memory_space<vmem>>
        %dma_wait3A_324 = arith.constant 0 : i32
        %dma_wait3A_325 = tpu.memref_slice %arg4[%select_n3A_304, %select_n3A_320, %dma_wait3A_324] : memref<20x16384x768xf32, #tpu.memory_space<hbm>> -> memref<1x32x768xf32, #tpu.memory_space<hbm>>
        %dma_wait3A_326 = tpu.memref_squeeze %dma_wait3A_325 : memref<1x32x768xf32, #tpu.memory_space<hbm>> -> memref<32x768xf32, #tpu.memory_space<hbm>>
        %dma_wait3A_327 = arith.constant 0 : i32
        %dma_wait3A_328 = tpu.memref_slice %arg4[%select_n3A_304, %select_n3A_320, %dma_wait3A_327] : memref<20x16384x768xf32, #tpu.memory_space<hbm>> -> memref<1x32x768xf32, #tpu.memory_space<hbm>>
        %dma_wait3A_329 = tpu.memref_squeeze %dma_wait3A_328 : memref<1x32x768xf32, #tpu.memory_space<hbm>> -> memref<32x768xf32, #tpu.memory_space<hbm>>
        %dma_wait3A_330 = arith.constant 0 : i32
        %dma_wait3A_331 = arith.constant 0 : i32
        %dma_wait3A_332 = tpu.memref_slice %arg8[%dma_wait3A_330, %dma_wait3A_331] : memref<32x769xf32, #tpu.memory_space<vmem>> -> memref<32x768xf32, #tpu.memory_space<vmem>>
        tpu.wait_dma2 semaphore(%arg10 : memref<!tpu.dma_semaphore, #tpu.memory_space<semaphore_mem>>) src(%dma_wait3A_332 : memref<32x768xf32, #tpu.memory_space<vmem>>) dst(%dma_wait3A_329 : memref<32x768xf32, #tpu.memory_space<hbm>>)
      } else {
      }
      %mul3A_197 = arith.constant 32 : i32
      %mul3A_198 = arith.muli %add3A_191, %mul3A_197 : i32
      %add3A_199 = arith.constant 0 : i32
      %add3A_200 = arith.addi %mul3A_198, %add3A_199 : i32
      %get3A_201 = arith.index_cast %add3A_200 : i32 to index
      %get3A_202 = tpu.vector_load %arg6[%get3A_201] {strides = array<i32>} : memref<10240xi32, #tpu.memory_space<vmem>>, vector<16xi32>,
      %add3A_203 = arith.constant 0 : i32
      %add3A_204 = vector.broadcast %add3A_203 : i32 to vector<16xi32>
      %add3A_205 = arith.addi %iota3A, %add3A_204 : vector<16xi32>
      %parallel_loop3A_206 = arith.constant 0 : i32
      %parallel_loop3A_207 = arith.constant 384 : i32
      %parallel_loop3A_208 = arith.constant 1 : i32
      scf.for %parallel_loop3A_276 = %parallel_loop3A_206 to %parallel_loop3A_207 step %parallel_loop3A_208  : i32 {
        %parallel_loop3A_277 = vector.broadcast %parallel_loop3A_276 : i32 to vector<16xi32>
        %parallel_loop3A_278 = arith.xori %parallel_loop3A_277, %iota3A : vector<16xi32>
        %parallel_loop3A_279 = tpu.vector_load_idx %arg5[%get3A_202, %parallel_loop3A_278] : memref<160x385xi32, #tpu.memory_space<vmem>>[vector<16xi32>, vector<16xi32>], vector<16xi32>,
        %parallel_loop3A_280 = vector.bitcast %parallel_loop3A_279 : vector<16xi32> to vector<32xbf16>
        %parallel_loop3A_281 = tpu.unpack_subelements %parallel_loop3A_280, 0 {pack_format = #tpu.pack_format<interleaved>} : vector<32xbf16> -> vector<16xf32>
        %parallel_loop3A_282 = tpu.unpack_subelements %parallel_loop3A_280, 1 {pack_format = #tpu.pack_format<interleaved>} : vector<32xbf16> -> vector<16xf32>
        %parallel_loop3A_283 = arith.constant 2 : i32
        %parallel_loop3A_284 = vector.broadcast %parallel_loop3A_283 : i32 to vector<16xi32>
        %parallel_loop3A_285 = arith.muli %parallel_loop3A_284, %parallel_loop3A_278 : vector<16xi32>
        tpu.vector_store_idx %arg8[%add3A_205, %parallel_loop3A_285], %parallel_loop3A_281 : memref<32x769xf32, #tpu.memory_space<vmem>>[vector<16xi32>, vector<16xi32>], vector<16xf32>,
        %parallel_loop3A_286 = arith.constant 2 : i32
        %parallel_loop3A_287 = vector.broadcast %parallel_loop3A_286 : i32 to vector<16xi32>
        %parallel_loop3A_288 = arith.muli %parallel_loop3A_287, %parallel_loop3A_278 : vector<16xi32>
        %parallel_loop3A_289 = arith.constant 1 : i32
        %parallel_loop3A_290 = vector.broadcast %parallel_loop3A_289 : i32 to vector<16xi32>
        %parallel_loop3A_291 = arith.addi %parallel_loop3A_288, %parallel_loop3A_290 : vector<16xi32>
        tpu.vector_store_idx %arg8[%add3A_205, %parallel_loop3A_291], %parallel_loop3A_282 : memref<32x769xf32, #tpu.memory_space<vmem>>[vector<16xi32>, vector<16xi32>], vector<16xf32>,
      } {sc.loop_unroll_factor = 8 : i64, sc.parallel_access}
      %mul3A_209 = arith.constant 32 : i32
      %mul3A_210 = arith.muli %add3A_191, %mul3A_209 : i32
      %add3A_211 = arith.constant 16 : i32
      %add3A_212 = arith.addi %mul3A_210, %add3A_211 : i32
      %get3A_213 = arith.index_cast %add3A_212 : i32 to index
      %get3A_214 = tpu.vector_load %arg6[%get3A_213] {strides = array<i32>} : memref<10240xi32, #tpu.memory_space<vmem>>, vector<16xi32>,
      %add3A_215 = arith.constant 16 : i32
      %add3A_216 = vector.broadcast %add3A_215 : i32 to vector<16xi32>
      %add3A_217 = arith.addi %iota3A, %add3A_216 : vector<16xi32>
      %parallel_loop3A_218 = arith.constant 0 : i32
      %parallel_loop3A_219 = arith.constant 384 : i32
      %parallel_loop3A_220 = arith.constant 1 : i32
      scf.for %parallel_loop3A_276 = %parallel_loop3A_218 to %parallel_loop3A_219 step %parallel_loop3A_220  : i32 {
        %parallel_loop3A_277 = vector.broadcast %parallel_loop3A_276 : i32 to vector<16xi32>
        %parallel_loop3A_278 = arith.xori %parallel_loop3A_277, %iota3A : vector<16xi32>
        %parallel_loop3A_279 = tpu.vector_load_idx %arg5[%get3A_214, %parallel_loop3A_278] : memref<160x385xi32, #tpu.memory_space<vmem>>[vector<16xi32>, vector<16xi32>], vector<16xi32>,
        %parallel_loop3A_280 = vector.bitcast %parallel_loop3A_279 : vector<16xi32> to vector<32xbf16>
        %parallel_loop3A_281 = tpu.unpack_subelements %parallel_loop3A_280, 0 {pack_format = #tpu.pack_format<interleaved>} : vector<32xbf16> -> vector<16xf32>
        %parallel_loop3A_282 = tpu.unpack_subelements %parallel_loop3A_280, 1 {pack_format = #tpu.pack_format<interleaved>} : vector<32xbf16> -> vector<16xf32>
        %parallel_loop3A_283 = arith.constant 2 : i32
        %parallel_loop3A_284 = vector.broadcast %parallel_loop3A_283 : i32 to vector<16xi32>
        %parallel_loop3A_285 = arith.muli %parallel_loop3A_284, %parallel_loop3A_278 : vector<16xi32>
        tpu.vector_store_idx %arg8[%add3A_217, %parallel_loop3A_285], %parallel_loop3A_281 : memref<32x769xf32, #tpu.memory_space<vmem>>[vector<16xi32>, vector<16xi32>], vector<16xf32>,
        %parallel_loop3A_286 = arith.constant 2 : i32
        %parallel_loop3A_287 = vector.broadcast %parallel_loop3A_286 : i32 to vector<16xi32>
        %parallel_loop3A_288 = arith.muli %parallel_loop3A_287, %parallel_loop3A_278 : vector<16xi32>
        %parallel_loop3A_289 = arith.constant 1 : i32
        %parallel_loop3A_290 = vector.broadcast %parallel_loop3A_289 : i32 to vector<16xi32>
        %parallel_loop3A_291 = arith.addi %parallel_loop3A_288, %parallel_loop3A_290 : vector<16xi32>
        tpu.vector_store_idx %arg8[%add3A_217, %parallel_loop3A_291], %parallel_loop3A_282 : memref<32x769xf32, #tpu.memory_space<vmem>>[vector<16xi32>, vector<16xi32>], vector<16xf32>,
      } {sc.loop_unroll_factor = 8 : i64, sc.parallel_access}
      %mul3A_221 = arith.constant 32 : i32
      %mul3A_222 = arith.muli %add3A_191, %mul3A_221 : i32
      %add3A_223 = arith.addi %mul3A_2, %mul3A_222 : i32
      %jit3A_224 = arith.constant 16384 : i32
      %div3A_225 = arith.divsi %add3A_223, %jit3A_224 : i32
      %sign3A_226 = arith.constant 0 : i32
      %sign3A_227 = arith.cmpi sgt, %add3A_223, %sign3A_226 : i32
      %sign3A_228 = arith.extui %sign3A_227 : i1 to i32
      %sign3A_229 = arith.constant 0 : i32
      %sign3A_230 = arith.cmpi slt, %add3A_223, %sign3A_229 : i32
      %sign3A_231 = arith.extui %sign3A_230 : i1 to i32
      %sign3A_232 = arith.subi %sign3A_228, %sign3A_231 : i32
      %sign3A_233 = arith.constant 0 : i32
      %sign3A_234 = arith.cmpi sgt, %jit3A_224, %sign3A_233 : i32
      %sign3A_235 = arith.extui %sign3A_234 : i1 to i32
      %sign3A_236 = arith.constant 0 : i32
      %sign3A_237 = arith.cmpi slt, %jit3A_224, %sign3A_236 : i32
      %sign3A_238 = arith.extui %sign3A_237 : i1 to i32
      %sign3A_239 = arith.subi %sign3A_235, %sign3A_238 : i32
      %ne3A_240 = arith.cmpi ne, %sign3A_232, %sign3A_239 : i32
      %rem3A_241 = arith.remsi %add3A_223, %jit3A_224 : i32
      %ne3A_242 = arith.constant 0 : i32
      %ne3A_243 = arith.cmpi ne, %rem3A_241, %ne3A_242 : i32
      %and3A_244 = arith.andi %ne3A_240, %ne3A_243 : i1
      %sub3A_245 = arith.constant 1 : i32
      %sub3A_246 = arith.subi %div3A_225, %sub3A_245 : i32
      %select_n3A_247 = arith.select %and3A_244, %sub3A_246, %div3A_225 : i32
      %jit3A_248 = arith.constant 16384 : i32
      %eq3A_249 = arith.constant 0 : i32
      %eq3A_250 = arith.cmpi eq, %jit3A_248, %eq3A_249 : i32
      %jit3A_251 = arith.constant 1 : i32
      %select_n3A_252 = arith.select %eq3A_250, %jit3A_251, %jit3A_248 : i32
      %rem3A_253 = arith.remsi %add3A_223, %select_n3A_252 : i32
      %ne3A_254 = arith.constant 0 : i32
      %ne3A_255 = arith.cmpi ne, %rem3A_253, %ne3A_254 : i32
      %lt3A_256 = arith.constant 0 : i32
      %lt3A_257 = arith.cmpi slt, %rem3A_253, %lt3A_256 : i32
      %lt3A_258 = arith.constant 0 : i32
      %lt3A_259 = arith.cmpi slt, %select_n3A_252, %lt3A_258 : i32
      %ne3A_260 = arith.xori %lt3A_257, %lt3A_259 : i1
      %and3A_261 = arith.andi %ne3A_260, %ne3A_255 : i1
      %add3A_262 = arith.addi %rem3A_253, %select_n3A_252 : i32
      %select_n3A_263 = arith.select %and3A_261, %add3A_262, %rem3A_253 : i32
      %dma_start3A_264 = arith.constant 0 : i32
      %dma_start3A_265 = arith.constant 0 : i32
      %dma_start3A_266 = tpu.memref_slice %arg8[%dma_start3A_264, %dma_start3A_265] : memref<32x769xf32, #tpu.memory_space<vmem>> -> memref<32x768xf32, #tpu.memory_space<vmem>>
      %dma_start3A_267 = arith.constant 0 : i32
      %dma_start3A_268 = tpu.memref_slice %arg4[%select_n3A_247, %select_n3A_263, %dma_start3A_267] : memref<20x16384x768xf32, #tpu.memory_space<hbm>> -> memref<1x32x768xf32, #tpu.memory_space<hbm>>
      %dma_start3A_269 = tpu.memref_squeeze %dma_start3A_268 : memref<1x32x768xf32, #tpu.memory_space<hbm>> -> memref<32x768xf32, #tpu.memory_space<hbm>>
      %dma_start3A_270 = arith.constant 0 : i32
      %dma_start3A_271 = tpu.memref_slice %arg4[%select_n3A_247, %select_n3A_263, %dma_start3A_270] : memref<20x16384x768xf32, #tpu.memory_space<hbm>> -> memref<1x32x768xf32, #tpu.memory_space<hbm>>
      %dma_start3A_272 = tpu.memref_squeeze %dma_start3A_271 : memref<1x32x768xf32, #tpu.memory_space<hbm>> -> memref<32x768xf32, #tpu.memory_space<hbm>>
      %dma_start3A_273 = arith.constant 0 : i32
      %dma_start3A_274 = arith.constant 0 : i32
      %dma_start3A_275 = tpu.memref_slice %arg8[%dma_start3A_273, %dma_start3A_274] : memref<32x769xf32, #tpu.memory_space<vmem>> -> memref<32x768xf32, #tpu.memory_space<vmem>>
      tpu.enqueue_dma source(%dma_start3A_275 : memref<32x768xf32, #tpu.memory_space<vmem>>) target(%dma_start3A_272 : memref<32x768xf32, #tpu.memory_space<hbm>>) target_semaphore(%arg10 : memref<!tpu.dma_semaphore, #tpu.memory_space<semaphore_mem>>)
    }
    %scan3A_7 = arith.constant 160 : i32
    %add3A_8 = arith.constant 10176 : i32
    %add3A_9 = arith.addi %mul3A_2, %add3A_8 : i32
    %jit3A = arith.constant 16384 : i32
    %div3A = arith.divsi %add3A_9, %jit3A : i32
    %sign3A = arith.constant 0 : i32
    %sign3A_10 = arith.cmpi sgt, %add3A_9, %sign3A : i32
    %sign3A_11 = arith.extui %sign3A_10 : i1 to i32
    %sign3A_12 = arith.constant 0 : i32
    %sign3A_13 = arith.cmpi slt, %add3A_9, %sign3A_12 : i32
    %sign3A_14 = arith.extui %sign3A_13 : i1 to i32
    %sign3A_15 = arith.subi %sign3A_11, %sign3A_14 : i32
    %sign3A_16 = arith.constant 0 : i32
    %sign3A_17 = arith.cmpi sgt, %jit3A, %sign3A_16 : i32
    %sign3A_18 = arith.extui %sign3A_17 : i1 to i32
    %sign3A_19 = arith.constant 0 : i32
    %sign3A_20 = arith.cmpi slt, %jit3A, %sign3A_19 : i32
    %sign3A_21 = arith.extui %sign3A_20 : i1 to i32
    %sign3A_22 = arith.subi %sign3A_18, %sign3A_21 : i32
    %ne3A = arith.cmpi ne, %sign3A_15, %sign3A_22 : i32
    %rem3A = arith.remsi %add3A_9, %jit3A : i32
    %ne3A_23 = arith.constant 0 : i32
    %ne3A_24 = arith.cmpi ne, %rem3A, %ne3A_23 : i32
    %and3A = arith.andi %ne3A, %ne3A_24 : i1
    %sub3A = arith.constant 1 : i32
    %sub3A_25 = arith.subi %div3A, %sub3A : i32
    %select_n3A = arith.select %and3A, %sub3A_25, %div3A : i32
    %jit3A_26 = arith.constant 16384 : i32
    %eq3A = arith.constant 0 : i32
    %eq3A_27 = arith.cmpi eq, %jit3A_26, %eq3A : i32
    %jit3A_28 = arith.constant 1 : i32
    %select_n3A_29 = arith.select %eq3A_27, %jit3A_28, %jit3A_26 : i32
    %rem3A_30 = arith.remsi %add3A_9, %select_n3A_29 : i32
    %ne3A_31 = arith.constant 0 : i32
    %ne3A_32 = arith.cmpi ne, %rem3A_30, %ne3A_31 : i32
    %lt3A = arith.constant 0 : i32
    %lt3A_33 = arith.cmpi slt, %rem3A_30, %lt3A : i32
    %lt3A_34 = arith.constant 0 : i32
    %lt3A_35 = arith.cmpi slt, %select_n3A_29, %lt3A_34 : i32
    %ne3A_36 = arith.xori %lt3A_33, %lt3A_35 : i1
    %and3A_37 = arith.andi %ne3A_36, %ne3A_32 : i1
    %add3A_38 = arith.addi %rem3A_30, %select_n3A_29 : i32
    %select_n3A_39 = arith.select %and3A_37, %add3A_38, %rem3A_30 : i32
    %dma_wait3A = arith.constant 0 : i32
    %dma_wait3A_40 = arith.constant 0 : i32
    %dma_wait3A_41 = tpu.memref_slice %arg7[%dma_wait3A, %dma_wait3A_40] : memref<32x769xf32, #tpu.memory_space<vmem>> -> memref<32x768xf32, #tpu.memory_space<vmem>>
    %dma_wait3A_42 = arith.constant 0 : i32
    %dma_wait3A_43 = tpu.memref_slice %arg4[%select_n3A, %select_n3A_39, %dma_wait3A_42] : memref<20x16384x768xf32, #tpu.memory_space<hbm>> -> memref<1x32x768xf32, #tpu.memory_space<hbm>>
    %dma_wait3A_44 = tpu.memref_squeeze %dma_wait3A_43 : memref<1x32x768xf32, #tpu.memory_space<hbm>> -> memref<32x768xf32, #tpu.memory_space<hbm>>
    %dma_wait3A_45 = arith.constant 0 : i32
    %dma_wait3A_46 = tpu.memref_slice %arg4[%select_n3A, %select_n3A_39, %dma_wait3A_45] : memref<20x16384x768xf32, #tpu.memory_space<hbm>> -> memref<1x32x768xf32, #tpu.memory_space<hbm>>
    %dma_wait3A_47 = tpu.memref_squeeze %dma_wait3A_46 : memref<1x32x768xf32, #tpu.memory_space<hbm>> -> memref<32x768xf32, #tpu.memory_space<hbm>>
    %dma_wait3A_48 = arith.constant 0 : i32
    %dma_wait3A_49 = arith.constant 0 : i32
    %dma_wait3A_50 = tpu.memref_slice %arg7[%dma_wait3A_48, %dma_wait3A_49] : memref<32x769xf32, #tpu.memory_space<vmem>> -> memref<32x768xf32, #tpu.memory_space<vmem>>
    tpu.wait_dma2 semaphore(%arg9 : memref<!tpu.dma_semaphore, #tpu.memory_space<semaphore_mem>>) src(%dma_wait3A_50 : memref<32x768xf32, #tpu.memory_space<vmem>>) dst(%dma_wait3A_47 : memref<32x768xf32, #tpu.memory_space<hbm>>)
    %add3A_51 = arith.constant 10208 : i32
    %add3A_52 = arith.addi %mul3A_2, %add3A_51 : i32
    %jit3A_53 = arith.constant 16384 : i32
    %div3A_54 = arith.divsi %add3A_52, %jit3A_53 : i32
    %sign3A_55 = arith.constant 0 : i32
    %sign3A_56 = arith.cmpi sgt, %add3A_52, %sign3A_55 : i32
    %sign3A_57 = arith.extui %sign3A_56 : i1 to i32
    %sign3A_58 = arith.constant 0 : i32
    %sign3A_59 = arith.cmpi slt, %add3A_52, %sign3A_58 : i32
    %sign3A_60 = arith.extui %sign3A_59 : i1 to i32
    %sign3A_61 = arith.subi %sign3A_57, %sign3A_60 : i32
    %sign3A_62 = arith.constant 0 : i32
    %sign3A_63 = arith.cmpi sgt, %jit3A_53, %sign3A_62 : i32
    %sign3A_64 = arith.extui %sign3A_63 : i1 to i32
    %sign3A_65 = arith.constant 0 : i32
    %sign3A_66 = arith.cmpi slt, %jit3A_53, %sign3A_65 : i32
    %sign3A_67 = arith.extui %sign3A_66 : i1 to i32
    %sign3A_68 = arith.subi %sign3A_64, %sign3A_67 : i32
    %ne3A_69 = arith.cmpi ne, %sign3A_61, %sign3A_68 : i32
    %rem3A_70 = arith.remsi %add3A_52, %jit3A_53 : i32
    %ne3A_71 = arith.constant 0 : i32
    %ne3A_72 = arith.cmpi ne, %rem3A_70, %ne3A_71 : i32
    %and3A_73 = arith.andi %ne3A_69, %ne3A_72 : i1
    %sub3A_74 = arith.constant 1 : i32
    %sub3A_75 = arith.subi %div3A_54, %sub3A_74 : i32
    %select_n3A_76 = arith.select %and3A_73, %sub3A_75, %div3A_54 : i32
    %jit3A_77 = arith.constant 16384 : i32
    %eq3A_78 = arith.constant 0 : i32
    %eq3A_79 = arith.cmpi eq, %jit3A_77, %eq3A_78 : i32
    %jit3A_80 = arith.constant 1 : i32
    %select_n3A_81 = arith.select %eq3A_79, %jit3A_80, %jit3A_77 : i32
    %rem3A_82 = arith.remsi %add3A_52, %select_n3A_81 : i32
    %ne3A_83 = arith.constant 0 : i32
    %ne3A_84 = arith.cmpi ne, %rem3A_82, %ne3A_83 : i32
    %lt3A_85 = arith.constant 0 : i32
    %lt3A_86 = arith.cmpi slt, %rem3A_82, %lt3A_85 : i32
    %lt3A_87 = arith.constant 0 : i32
    %lt3A_88 = arith.cmpi slt, %select_n3A_81, %lt3A_87 : i32
    %ne3A_89 = arith.xori %lt3A_86, %lt3A_88 : i1
    %and3A_90 = arith.andi %ne3A_89, %ne3A_84 : i1
    %add3A_91 = arith.addi %rem3A_82, %select_n3A_81 : i32
    %select_n3A_92 = arith.select %and3A_90, %add3A_91, %rem3A_82 : i32
    %dma_wait3A_93 = arith.constant 0 : i32
    %dma_wait3A_94 = arith.constant 0 : i32
    %dma_wait3A_95 = tpu.memref_slice %arg8[%dma_wait3A_93, %dma_wait3A_94] : memref<32x769xf32, #tpu.memory_space<vmem>> -> memref<32x768xf32, #tpu.memory_space<vmem>>
    %dma_wait3A_96 = arith.constant 0 : i32
    %dma_wait3A_97 = tpu.memref_slice %arg4[%select_n3A_76, %select_n3A_92, %dma_wait3A_96] : memref<20x16384x768xf32, #tpu.memory_space<hbm>> -> memref<1x32x768xf32, #tpu.memory_space<hbm>>
    %dma_wait3A_98 = tpu.memref_squeeze %dma_wait3A_97 : memref<1x32x768xf32, #tpu.memory_space<hbm>> -> memref<32x768xf32, #tpu.memory_space<hbm>>
    %dma_wait3A_99 = arith.constant 0 : i32
    %dma_wait3A_100 = tpu.memref_slice %arg4[%select_n3A_76, %select_n3A_92, %dma_wait3A_99] : memref<20x16384x768xf32, #tpu.memory_space<hbm>> -> memref<1x32x768xf32, #tpu.memory_space<hbm>>
    %dma_wait3A_101 = tpu.memref_squeeze %dma_wait3A_100 : memref<1x32x768xf32, #tpu.memory_space<hbm>> -> memref<32x768xf32, #tpu.memory_space<hbm>>
    %dma_wait3A_102 = arith.constant 0 : i32
    %dma_wait3A_103 = arith.constant 0 : i32
    %dma_wait3A_104 = tpu.memref_slice %arg8[%dma_wait3A_102, %dma_wait3A_103] : memref<32x769xf32, #tpu.memory_space<vmem>> -> memref<32x768xf32, #tpu.memory_space<vmem>>
    tpu.wait_dma2 semaphore(%arg10 : memref<!tpu.dma_semaphore, #tpu.memory_space<semaphore_mem>>) src(%dma_wait3A_104 : memref<32x768xf32, #tpu.memory_space<vmem>>) dst(%dma_wait3A_101 : memref<32x768xf32, #tpu.memory_space<hbm>>)
    return
  }
}

module attributes {stable_mosaic.version = 14 : i64} {
  func.func @_lut_body(%arg0: memref<20x16384xi32, #tpu.memory_space<vmem>>, %arg1: memref<20x16384xi32, #tpu.memory_space<vmem>>, %arg2: memref<4x768xf32, #tpu.memory_space<vmem>>, %arg3: memref<30x768xf32, #tpu.memory_space<vmem>>, %arg4: memref<2x768xf32, #tpu.memory_space<vmem>>, %arg5: memref<1x768xf32, #tpu.memory_space<vmem>>, %arg6: memref<1x768xf32, #tpu.memory_space<vmem>>, %arg7: memref<160x768xbf16, #tpu.memory_space<vmem>>, %arg8: memref<20x16384xi32, #tpu.memory_space<vmem>>) attributes {dimension_semantics = [], scalar_prefetch = 0 : i64, scratch_operands = 0 : i64, tpu.core_type = #tpu.core_type<tc>} {
    %iota3A = tpu.iota {dimensions = array<i32: 0>} : vector<20x16384xi32>
    %get3A = arith.constant 0 : index
    %get3A_0 = arith.constant 0 : index
    %get3A_1 = vector.load %arg0[%get3A, %get3A_0] : memref<20x16384xi32, #tpu.memory_space<vmem>>, vector<20x16384xi32>
    %mul3A = arith.constant 40 : i32
    %mul3A_2 = vector.broadcast %mul3A : i32 to vector<20x16384xi32>
    %mul3A_3 = arith.muli %get3A_1, %mul3A_2 : vector<20x16384xi32>
    %get3A_4 = arith.constant 0 : index
    %get3A_5 = arith.constant 0 : index
    %get3A_6 = vector.load %arg1[%get3A_4, %get3A_5] : memref<20x16384xi32, #tpu.memory_space<vmem>>, vector<20x16384xi32>
    %mul3A_7 = arith.constant 20 : i32
    %mul3A_8 = vector.broadcast %mul3A_7 : i32 to vector<20x16384xi32>
    %mul3A_9 = arith.muli %get3A_6, %mul3A_8 : vector<20x16384xi32>
    %add3A = arith.addi %mul3A_3, %mul3A_9 : vector<20x16384xi32>
    %add3A_10 = arith.addi %add3A, %iota3A : vector<20x16384xi32>
    %swap3A = arith.constant 0 : index
    %swap3A_11 = arith.constant 0 : index
    %swap3A_12 = vector.load %arg8[%swap3A, %swap3A_11] : memref<20x16384xi32, #tpu.memory_space<vmem>>, vector<20x16384xi32>
    tpu.vector_store %arg8[%swap3A, %swap3A_11], %add3A_10 {strides = array<i32>} : memref<20x16384xi32, #tpu.memory_space<vmem>>, vector<20x16384xi32>,
    %iota3A_13 = tpu.iota {dimensions = array<i32: 0>} : vector<160x1xi32>
    %jit3A = arith.constant 40 : i32
    %div3A = vector.broadcast %jit3A : i32 to vector<160x1xi32>
    %div3A_14 = arith.divsi %iota3A_13, %div3A : vector<160x1xi32>
    %sign3A = arith.constant 0 : i32
    %sign3A_15 = vector.broadcast %sign3A : i32 to vector<160x1xi32>
    %sign3A_16 = arith.cmpi sgt, %iota3A_13, %sign3A_15 : vector<160x1xi32>
    %sign3A_17 = arith.extui %sign3A_16 : vector<160x1xi1> to vector<160x1xi32>
    %sign3A_18 = arith.constant 0 : i32
    %sign3A_19 = vector.broadcast %sign3A_18 : i32 to vector<160x1xi32>
    %sign3A_20 = arith.cmpi slt, %iota3A_13, %sign3A_19 : vector<160x1xi32>
    %sign3A_21 = arith.extui %sign3A_20 : vector<160x1xi1> to vector<160x1xi32>
    %sign3A_22 = arith.subi %sign3A_17, %sign3A_21 : vector<160x1xi32>
    %sign3A_23 = arith.constant 0 : i32
    %sign3A_24 = arith.cmpi sgt, %jit3A, %sign3A_23 : i32
    %sign3A_25 = arith.extui %sign3A_24 : i1 to i32
    %sign3A_26 = arith.constant 0 : i32
    %sign3A_27 = arith.cmpi slt, %jit3A, %sign3A_26 : i32
    %sign3A_28 = arith.extui %sign3A_27 : i1 to i32
    %sign3A_29 = arith.subi %sign3A_25, %sign3A_28 : i32
    %ne3A = vector.broadcast %sign3A_29 : i32 to vector<160x1xi32>
    %ne3A_30 = arith.cmpi ne, %sign3A_22, %ne3A : vector<160x1xi32>
    %rem3A = vector.broadcast %jit3A : i32 to vector<160x1xi32>
    %rem3A_31 = arith.remsi %iota3A_13, %rem3A : vector<160x1xi32>
    %ne3A_32 = arith.constant 0 : i32
    %ne3A_33 = vector.broadcast %ne3A_32 : i32 to vector<160x1xi32>
    %ne3A_34 = arith.cmpi ne, %rem3A_31, %ne3A_33 : vector<160x1xi32>
    %and3A = arith.andi %ne3A_30, %ne3A_34 : vector<160x1xi1>
    %sub3A = arith.constant 1 : i32
    %sub3A_35 = vector.broadcast %sub3A : i32 to vector<160x1xi32>
    %sub3A_36 = arith.subi %div3A_14, %sub3A_35 : vector<160x1xi32>
    %select_n3A = arith.select %and3A, %sub3A_36, %div3A_14 : vector<160x1xi1>, vector<160x1xi32>
    %iota3A_37 = tpu.iota {dimensions = array<i32: 1>} : vector<160x4xi32>
    %eq3A = vector.broadcast %select_n3A : vector<160x1xi32> to vector<160x4xi32>
    %eq3A_38 = arith.cmpi eq, %eq3A, %iota3A_37 : vector<160x4xi32>
    %convert_element_type3A = arith.extui %eq3A_38 : vector<160x4xi1> to vector<160x4xi32>
    %convert_element_type3A_39 = arith.sitofp %convert_element_type3A : vector<160x4xi32> to vector<160x4xf32>
    %jit3A_40 = arith.constant 40 : i32
    %eq3A_41 = arith.constant 0 : i32
    %eq3A_42 = arith.cmpi eq, %jit3A_40, %eq3A_41 : i32
    %jit3A_43 = arith.constant 1 : i32
    %select_n3A_44 = arith.select %eq3A_42, %jit3A_43, %jit3A_40 : i32
    %rem3A_45 = vector.broadcast %select_n3A_44 : i32 to vector<160x1xi32>
    %rem3A_46 = arith.remsi %iota3A_13, %rem3A_45 : vector<160x1xi32>
    %ne3A_47 = arith.constant 0 : i32
    %ne3A_48 = vector.broadcast %ne3A_47 : i32 to vector<160x1xi32>
    %ne3A_49 = arith.cmpi ne, %rem3A_46, %ne3A_48 : vector<160x1xi32>
    %lt3A = arith.constant 0 : i32
    %lt3A_50 = vector.broadcast %lt3A : i32 to vector<160x1xi32>
    %lt3A_51 = arith.cmpi slt, %rem3A_46, %lt3A_50 : vector<160x1xi32>
    %lt3A_52 = arith.constant 0 : i32
    %lt3A_53 = arith.cmpi slt, %select_n3A_44, %lt3A_52 : i32
    %ne3A_54 = vector.broadcast %lt3A_53 : i1 to vector<160x1xi1>
    %ne3A_55 = vector.broadcast %ne3A_54 : vector<160x1xi1> to vector<160x1xi1>
    %ne3A_56 = arith.xori %lt3A_51, %ne3A_55 : vector<160x1xi1>
    %and3A_57 = arith.andi %ne3A_56, %ne3A_49 : vector<160x1xi1>
    %add3A_58 = vector.broadcast %select_n3A_44 : i32 to vector<160x1xi32>
    %add3A_59 = arith.addi %rem3A_46, %add3A_58 : vector<160x1xi32>
    %select_n3A_60 = arith.select %and3A_57, %add3A_59, %rem3A_46 : vector<160x1xi1>, vector<160x1xi32>
    %jit3A_61 = arith.constant 20 : i32
    %div3A_62 = vector.broadcast %jit3A_61 : i32 to vector<160x1xi32>
    %div3A_63 = arith.divsi %select_n3A_60, %div3A_62 : vector<160x1xi32>
    %sign3A_64 = arith.constant 0 : i32
    %sign3A_65 = vector.broadcast %sign3A_64 : i32 to vector<160x1xi32>
    %sign3A_66 = arith.cmpi sgt, %select_n3A_60, %sign3A_65 : vector<160x1xi32>
    %sign3A_67 = arith.extui %sign3A_66 : vector<160x1xi1> to vector<160x1xi32>
    %sign3A_68 = arith.constant 0 : i32
    %sign3A_69 = vector.broadcast %sign3A_68 : i32 to vector<160x1xi32>
    %sign3A_70 = arith.cmpi slt, %select_n3A_60, %sign3A_69 : vector<160x1xi32>
    %sign3A_71 = arith.extui %sign3A_70 : vector<160x1xi1> to vector<160x1xi32>
    %sign3A_72 = arith.subi %sign3A_67, %sign3A_71 : vector<160x1xi32>
    %sign3A_73 = arith.constant 0 : i32
    %sign3A_74 = arith.cmpi sgt, %jit3A_61, %sign3A_73 : i32
    %sign3A_75 = arith.extui %sign3A_74 : i1 to i32
    %sign3A_76 = arith.constant 0 : i32
    %sign3A_77 = arith.cmpi slt, %jit3A_61, %sign3A_76 : i32
    %sign3A_78 = arith.extui %sign3A_77 : i1 to i32
    %sign3A_79 = arith.subi %sign3A_75, %sign3A_78 : i32
    %ne3A_80 = vector.broadcast %sign3A_79 : i32 to vector<160x1xi32>
    %ne3A_81 = arith.cmpi ne, %sign3A_72, %ne3A_80 : vector<160x1xi32>
    %rem3A_82 = vector.broadcast %jit3A_61 : i32 to vector<160x1xi32>
    %rem3A_83 = arith.remsi %select_n3A_60, %rem3A_82 : vector<160x1xi32>
    %ne3A_84 = arith.constant 0 : i32
    %ne3A_85 = vector.broadcast %ne3A_84 : i32 to vector<160x1xi32>
    %ne3A_86 = arith.cmpi ne, %rem3A_83, %ne3A_85 : vector<160x1xi32>
    %and3A_87 = arith.andi %ne3A_81, %ne3A_86 : vector<160x1xi1>
    %sub3A_88 = arith.constant 1 : i32
    %sub3A_89 = vector.broadcast %sub3A_88 : i32 to vector<160x1xi32>
    %sub3A_90 = arith.subi %div3A_63, %sub3A_89 : vector<160x1xi32>
    %select_n3A_91 = arith.select %and3A_87, %sub3A_90, %div3A_63 : vector<160x1xi1>, vector<160x1xi32>
    %iota3A_92 = tpu.iota {dimensions = array<i32: 1>} : vector<160x2xi32>
    %eq3A_93 = vector.broadcast %select_n3A_91 : vector<160x1xi32> to vector<160x2xi32>
    %eq3A_94 = arith.cmpi eq, %eq3A_93, %iota3A_92 : vector<160x2xi32>
    %convert_element_type3A_95 = arith.extui %eq3A_94 : vector<160x2xi1> to vector<160x2xi32>
    %convert_element_type3A_96 = arith.sitofp %convert_element_type3A_95 : vector<160x2xi32> to vector<160x2xf32>
    %jit3A_97 = arith.constant 20 : i32
    %eq3A_98 = arith.constant 0 : i32
    %eq3A_99 = arith.cmpi eq, %jit3A_97, %eq3A_98 : i32
    %jit3A_100 = arith.constant 1 : i32
    %select_n3A_101 = arith.select %eq3A_99, %jit3A_100, %jit3A_97 : i32
    %rem3A_102 = vector.broadcast %select_n3A_101 : i32 to vector<160x1xi32>
    %rem3A_103 = arith.remsi %iota3A_13, %rem3A_102 : vector<160x1xi32>
    %ne3A_104 = arith.constant 0 : i32
    %ne3A_105 = vector.broadcast %ne3A_104 : i32 to vector<160x1xi32>
    %ne3A_106 = arith.cmpi ne, %rem3A_103, %ne3A_105 : vector<160x1xi32>
    %lt3A_107 = arith.constant 0 : i32
    %lt3A_108 = vector.broadcast %lt3A_107 : i32 to vector<160x1xi32>
    %lt3A_109 = arith.cmpi slt, %rem3A_103, %lt3A_108 : vector<160x1xi32>
    %lt3A_110 = arith.constant 0 : i32
    %lt3A_111 = arith.cmpi slt, %select_n3A_101, %lt3A_110 : i32
    %ne3A_112 = vector.broadcast %lt3A_111 : i1 to vector<160x1xi1>
    %ne3A_113 = vector.broadcast %ne3A_112 : vector<160x1xi1> to vector<160x1xi1>
    %ne3A_114 = arith.xori %lt3A_109, %ne3A_113 : vector<160x1xi1>
    %and3A_115 = arith.andi %ne3A_114, %ne3A_106 : vector<160x1xi1>
    %add3A_116 = vector.broadcast %select_n3A_101 : i32 to vector<160x1xi32>
    %add3A_117 = arith.addi %rem3A_103, %add3A_116 : vector<160x1xi32>
    %select_n3A_118 = arith.select %and3A_115, %add3A_117, %rem3A_103 : vector<160x1xi1>, vector<160x1xi32>
    %iota3A_119 = tpu.iota {dimensions = array<i32: 1>} : vector<160x20xi32>
    %eq3A_120 = vector.broadcast %select_n3A_118 : vector<160x1xi32> to vector<160x20xi32>
    %eq3A_121 = arith.cmpi eq, %eq3A_120, %iota3A_119 : vector<160x20xi32>
    %convert_element_type3A_122 = arith.extui %eq3A_121 : vector<160x20xi1> to vector<160x20xi32>
    %convert_element_type3A_123 = arith.sitofp %convert_element_type3A_122 : vector<160x20xi32> to vector<160x20xf32>
    %get3A_124 = arith.constant 0 : index
    %get3A_125 = arith.constant 0 : index
    %get3A_126 = vector.load %arg2[%get3A_124, %get3A_125] : memref<4x768xf32, #tpu.memory_space<vmem>>, vector<4x768xf32>
    %dot_general3A = arith.constant dense<0.000000e+00> : vector<160x768xf32>
    %dot_general3A_127 = tpu.matmul %convert_element_type3A_39, %get3A_126, %dot_general3A {dimension_numbers = #tpu.dot_dimension_numbers<[1], [0], [0], [1], [0, 0, 1, 1], [], []>, precision = #tpu.contract_precision<fp32>, transpose_lhs_hint = false} : vector<160x4xf32>, vector<4x768xf32>, vector<160x768xf32> -> vector<160x768xf32>
    %get3A_128 = arith.constant 0 : index
    %get3A_129 = arith.constant 0 : index
    %get3A_130 = vector.load %arg4[%get3A_128, %get3A_129] : memref<2x768xf32, #tpu.memory_space<vmem>>, vector<2x768xf32>
    %dot_general3A_131 = arith.constant dense<0.000000e+00> : vector<160x768xf32>
    %dot_general3A_132 = tpu.matmul %convert_element_type3A_96, %get3A_130, %dot_general3A_131 {dimension_numbers = #tpu.dot_dimension_numbers<[1], [0], [0], [1], [0, 0, 1, 1], [], []>, precision = #tpu.contract_precision<fp32>, transpose_lhs_hint = false} : vector<160x2xf32>, vector<2x768xf32>, vector<160x768xf32> -> vector<160x768xf32>
    %add3A_133 = arith.addf %dot_general3A_127, %dot_general3A_132 : vector<160x768xf32>
    %get3A_134 = arith.constant 0 : index
    %get3A_135 = arith.constant 0 : index
    %get3A_136 = vector.load %arg3[%get3A_134, %get3A_135] : memref<30x768xf32, #tpu.memory_space<vmem>>, vector<20x768xf32>
    %dot_general3A_137 = arith.constant dense<0.000000e+00> : vector<160x768xf32>
    %dot_general3A_138 = tpu.matmul %convert_element_type3A_123, %get3A_136, %dot_general3A_137 {dimension_numbers = #tpu.dot_dimension_numbers<[1], [0], [0], [1], [0, 0, 1, 1], [], []>, precision = #tpu.contract_precision<fp32>, transpose_lhs_hint = false} : vector<160x20xf32>, vector<20x768xf32>, vector<160x768xf32> -> vector<160x768xf32>
    %add3A_139 = arith.addf %add3A_133, %dot_general3A_138 : vector<160x768xf32>
    %reduce_sum3A = arith.constant dense<0.000000e+00> : vector<160xf32>
    %reduce_sum3A_140 = vector.multi_reduction <add>, %add3A_139, %reduce_sum3A [1] : vector<160x768xf32> to vector<160xf32>
    %broadcast_in_dim3A = vector.shape_cast %reduce_sum3A_140 : vector<160xf32> to vector<160x1xf32>
    %div3A_141 = arith.constant 7.680000e+02 : f32
    %div3A_142 = vector.broadcast %div3A_141 : f32 to vector<160x1xf32>
    %div3A_143 = arith.divf %broadcast_in_dim3A, %div3A_142 : vector<160x1xf32>
    %sub3A_144 = vector.broadcast %div3A_143 : vector<160x1xf32> to vector<160x768xf32>
    %sub3A_145 = arith.subf %add3A_139, %sub3A_144 : vector<160x768xf32>
    %mul3A_146 = arith.mulf %sub3A_145, %sub3A_145 : vector<160x768xf32>
    %reduce_sum3A_147 = arith.constant dense<0.000000e+00> : vector<160xf32>
    %reduce_sum3A_148 = vector.multi_reduction <add>, %mul3A_146, %reduce_sum3A_147 [1] : vector<160x768xf32> to vector<160xf32>
    %broadcast_in_dim3A_149 = vector.shape_cast %reduce_sum3A_148 : vector<160xf32> to vector<160x1xf32>
    %div3A_150 = arith.constant 7.680000e+02 : f32
    %div3A_151 = vector.broadcast %div3A_150 : f32 to vector<160x1xf32>
    %div3A_152 = arith.divf %broadcast_in_dim3A_149, %div3A_151 : vector<160x1xf32>
    %add3A_153 = arith.constant 9.99999974E-6 : f32
    %add3A_154 = vector.broadcast %add3A_153 : f32 to vector<160x1xf32>
    %add3A_155 = arith.addf %div3A_152, %add3A_154 : vector<160x1xf32>
    %rsqrt3A = math.rsqrt %add3A_155 : vector<160x1xf32>
    %mul3A_156 = vector.broadcast %rsqrt3A : vector<160x1xf32> to vector<160x768xf32>
    %mul3A_157 = arith.mulf %sub3A_145, %mul3A_156 : vector<160x768xf32>
    %get3A_158 = arith.constant 0 : index
    %get3A_159 = arith.constant 0 : index
    %get3A_160 = vector.load %arg5[%get3A_158, %get3A_159] : memref<1x768xf32, #tpu.memory_space<vmem>>, vector<1x768xf32>
    %get3A_161 = vector.shape_cast %get3A_160 : vector<1x768xf32> to vector<768xf32>
    %broadcast_in_dim3A_162 = vector.shape_cast %get3A_161 : vector<768xf32> to vector<1x768xf32>
    %mul3A_163 = vector.broadcast %broadcast_in_dim3A_162 : vector<1x768xf32> to vector<160x768xf32>
    %mul3A_164 = arith.mulf %mul3A_157, %mul3A_163 : vector<160x768xf32>
    %get3A_165 = arith.constant 0 : index
    %get3A_166 = arith.constant 0 : index
    %get3A_167 = vector.load %arg6[%get3A_165, %get3A_166] : memref<1x768xf32, #tpu.memory_space<vmem>>, vector<1x768xf32>
    %get3A_168 = vector.shape_cast %get3A_167 : vector<1x768xf32> to vector<768xf32>
    %broadcast_in_dim3A_169 = vector.shape_cast %get3A_168 : vector<768xf32> to vector<1x768xf32>
    %add3A_170 = vector.broadcast %broadcast_in_dim3A_169 : vector<1x768xf32> to vector<160x768xf32>
    %add3A_171 = arith.addf %mul3A_164, %add3A_170 : vector<160x768xf32>
    %convert_element_type3A_172 = arith.truncf %add3A_171 : vector<160x768xf32> to vector<160x768xbf16>
    %swap3A_173 = arith.constant 0 : index
    %swap3A_174 = arith.constant 0 : index
    %swap3A_175 = vector.load %arg7[%swap3A_173, %swap3A_174] : memref<160x768xbf16, #tpu.memory_space<vmem>>, vector<160x768xbf16>
    tpu.vector_store %arg7[%swap3A_173, %swap3A_174], %convert_element_type3A_172 {strides = array<i32>} : memref<160x768xbf16, #tpu.memory_space<vmem>>, vector<160x768xbf16>,
    return
  }
}

</mosaic_0001>

<sc_bundles>
// kernel: kernel.4.cloned.1.call-start
scs
__scs_entry_jumppad:
0x0: {  	(pc) =	sbr.rel $0x88, $3  }
0x1: {  	(tag) =	ssettag $0x0;
	lr =	simm.s32 $0x1  }
0x2: {  	[smem:$0x3F9A] =	sst lr;
	_ =	strace $0xD0000000  }
0x3: {  	_ = 	snop  }
0x4: {  	_ = 	snop  }
0x5: {  	_ = 	snop  }
0x6: {  	_ = 	snop  }
0x7: {  	_ = 	snop  }
__scs_overlays_trampoline_lowered:
0x8: {  	[smem:$0x3FA9] =	sst s0  }
0x9: {  	[smem:$0x3FAA] =	sst s1  }
0xa: {  	[smem:$0x3FAB] =	sst s2  }
0xb: {  	[smem:$0x3FAC] =	sst s3  }
0xc: {  	[smem:$0x3FAD] =	sst s4  }
0xd: {  	[smem:$0x3FAE] =	sst s5  }
0xe: {  	[smem:$0x3FAF] =	sst s6  }
0xf: {  	[smem:$0x3FB0] =	sst s7  }
0x10: {  	[smem:$0x3FB1] =	sst s8  }
0x11: {  	[smem:$0x3FB2] =	sst s9;
	s0 =	simm.s32 @!p0 $0x0  }
0x12: {  	s1 =	sld [smem:$0x3F98];
	s0 =	simm.s32 @p0 $0x1  }
0x13: {  	[smem:$0x3FB3] =	sst s0;
	s0 =	simm.s32 @!p1 $0x0  }
0x14: {  	s2 =	sld [smem:$0x3F97];
	s0 =	simm.s32 @p1 $0x1  }
0x15: {  	[smem:$0x3FB4] =	sst s0;
	s0 =	simm.s32 @!p2 $0x0  }
0x16: {  	s3 =	sld [smem:$0x3FDB];
	s0 =	simm.s32 @p2 $0x1  }
0x17: {  	s4 =	simm.s32 $0x1BF5;
	[smem:$0x3FB6] =	sst s0  }
0x18: {  	s0 =	sld [smem:$0x3F99];
	_ =	swait.ge [sflag:s4], $0x0  }
0x19: {  	s7 =	sld [smem:$0x3F9A]  }
0x1a: {  	s8 =	sadd.s32 $0xFFFFE003, lr  }
0x1b: {  	s9 =	sadd.s32 $0xFFFFFEF7, lr;
	s5 =	simm.s32 $0xFFFFFFFF;
	p2 =	slt.u32 s8, $0xFFFFF086  }
0x1c: {  	p1 =	slt.u32 s9, $0xF7A;
	s5 =	simm.s32 @!p2 $0x0  }
0x1d: {  	s5 =	simm.s32 @p1 $0x1;
	p0 =	seq.s32 s7, s2  }
0x1e: {  	s7 =	smul.u32 @!p0 $0xF7A, s2;
	p2 =	seq.s32 @!p0 s5, $0x0  }
0x1f: {  	s9 =	smul.u32 $0xF7A, s1;
	s8 =	simm.s32 @!p0 $0x1BF5;
	p2 =	por !p2, p0  }
0x20: {  	[sflag:s8] =	ssyncset.s32 @!p0 $0xFFFFF086;
	s6 =	sadd.s32 @!p0 s3, s7;
	s7 =	simm.s32 @!p0 $0x108  }
0x21: {  	s3 =	sadd.s32 s3, s9;
	s6 =	sadd.s32 @!p0 $0x88, s6;
	s7 =	simm.s32 @p2 $0x1082  }
0x22: {  	[simem:s7], [sflag:s8] =	dma.local @!p0 [hbm:s6], $0xF7A  }
0x23: {  	s9 =	sor.u32 $0xD0000000, s2;
	s6 =	simm.s32 $0x108;
	_ =	swait.ge @!p0 [sflag:s8], $0x0  }
0x24: {  	s3 =	sadd.s32 $0x88, s3;
	s6 =	simm.s32 @!p1 $0x1082;
	[sflag:s4] =	ssyncset.s32 $0xFFFFF086  }
0x25: {  	[simem:s6], [sflag:s4] =	dma.local [hbm:s3], $0xF7A  }
0x26: {  	[smem:$0x3F9A] =	sst s1;
	(tag) =	ssettag s2;
	_ =	strace s9  }
0x27: {  	s1 =	sld [smem:$0x3FAA]  }
0x28: {  	s2 =	sld [smem:$0x3FAB]  }
0x29: {  	s4 =	sld [smem:$0x3FAD]  }
0x2a: {  	p0 =	seq.s32 s5, $0x0;
	s5 =	sld [smem:$0x3FAE]  }
0x2b: {  	s6 =	sld [smem:$0x3FAF]  }
0x2c: {  	s7 =	sld [smem:$0x3FB0]  }
0x2d: {  	s3 =	simm.s32 $0x108;
	s8 =	sld [smem:$0x3FB1]  }
0x2e: {  	s3 =	simm.s32 @!p0 $0x1082;
	s9 =	sld [smem:$0x3FB2]  }
0x2f: {  	lr =	sadd.s32 s0, s3;
	s0 =	sld [smem:$0x3FA9]  }
0x30: {  	s3 =	sld [smem:$0x3FAC]  }
0x31: {  	[smem:$0x3FB5] =	sst s10  }
0x32: {  	s10 =	sld [smem:$0x3FB3];
	_ =	sdelay $0x3  }
0x33: {  	p0 =	seq.s32 s10, $0x1;
	s10 =	sld [smem:$0x3FB5];
	_ =	sdelay $0x3  }
0x34: {  	[smem:$0x3FB5] =	sst s10  }
0x35: {  	s10 =	sld [smem:$0x3FB4];
	_ =	sdelay $0x3  }
0x36: {  	p1 =	seq.s32 s10, $0x1;
	s10 =	sld [smem:$0x3FB5];
	_ =	sdelay $0x3  }
0x37: {  	[smem:$0x3FB5] =	sst s10  }
0x38: {  	s10 =	sld [smem:$0x3FB6]  }
0x39: {  	_ = 	snop;
	(pc) =	sbr.ind lr, $3  }
0x3a: {  	_ = 	snop  }
0x3b: {  	_ = 	snop  }
0x3c: {  	p2 =	seq.s32 s10, $0x1;
	s10 =	sld [smem:$0x3FB5]  }
0x3d: {  	_ =	shalt  }
0x3e: {  	_ =	shalt  }
0x3f: {  	_ =	shalt  }
0x40: {  	_ =	shalt  }
0x41: {  	_ =	shalt  }
0x42: {  	_ =	shalt  }
0x43: {  	_ =	shalt  }
0x44: {  	_ =	shalt  }
0x45: {  	_ =	shalt  }
0x46: {  	_ =	shalt  }
0x47: {  	_ =	shalt  }
0x48: {  	_ =	shalt  }
0x49: {  	_ =	shalt  }
0x4a: {  	_ =	shalt  }
0x4b: {  	_ =	shalt  }
0x4c: {  	_ =	shalt  }
0x4d: {  	_ =	shalt  }
0x4e: {  	_ =	shalt  }
0x4f: {  	_ =	shalt  }
0x50: {  	_ =	shalt  }
0x51: {  	_ =	shalt  }
0x52: {  	_ =	shalt  }
0x53: {  	_ =	shalt  }
0x54: {  	_ =	shalt  }
0x55: {  	_ =	shalt  }
0x56: {  	_ =	shalt  }
0x57: {  	_ =	shalt  }
0x58: {  	_ =	shalt  }
0x59: {  	_ =	shalt  }
0x5a: {  	_ =	shalt  }
0x5b: {  	_ =	shalt  }
0x5c: {  	_ =	shalt  }
0x5d: {  	_ =	shalt  }
0x5e: {  	_ =	shalt  }
0x5f: {  	_ =	shalt  }
0x60: {  	_ =	shalt  }
0x61: {  	_ =	shalt  }
0x62: {  	_ =	shalt  }
0x63: {  	_ =	shalt  }
0x64: {  	_ =	shalt  }
0x65: {  	_ =	shalt  }
0x66: {  	_ =	shalt  }
0x67: {  	_ =	shalt  }
0x68: {  	_ =	shalt  }
0x69: {  	_ =	shalt  }
0x6a: {  	_ =	shalt  }
0x6b: {  	_ =	shalt  }
0x6c: {  	_ =	shalt  }
0x6d: {  	_ =	shalt  }
0x6e: {  	_ =	shalt  }
0x6f: {  	_ =	shalt  }
0x70: {  	_ =	shalt  }
0x71: {  	_ =	shalt  }
0x72: {  	_ =	shalt  }
0x73: {  	_ =	shalt  }
0x74: {  	_ =	shalt  }
0x75: {  	_ =	shalt  }
0x76: {  	_ =	shalt  }
0x77: {  	_ =	shalt  }
0x78: {  	_ =	shalt  }
0x79: {  	_ =	shalt  }
0x7a: {  	_ =	shalt  }
0x7b: {  	_ =	shalt  }
0x7c: {  	_ =	shalt  }
0x7d: {  	_ =	shalt  }
0x7e: {  	_ =	shalt  }
0x7f: {  	_ =	shalt  }
0x80: {  	_ =	shalt  }
0x81: {  	_ =	shalt  }
0x82: {  	_ =	shalt  }
0x83: {  	_ =	shalt  }
0x84: {  	_ =	shalt  }
0x85: {  	_ =	shalt  }
0x86: {  	_ =	shalt  }
0x87: {  	_ =	shalt  }
.Lfunc_end0:
.L_simem_size_0:
called_computation_lowered:
.L_overlay_start_0:
0x88: {  	s2 =	sld [smem:$0x3FD9]  }
0x89: {  	s3 =	sld [smem:$0x3FFE];
	_ =	sdelay $0x1  }
0x8a: {  	s1 =	srdreg.scid  }
0x8b: {  	s0 =	sand.u32 $0x1, s1  }
0x8c: {  	s17 =	sshll.u32 s0, $0xA;
	s2 =	sadd.s32 s3, s2  }
0x8d: {  	s2 =	sadd.s32 s2, s17  }
0x8e: {  	[smem:$0x3FC1] =	sst s2  }
0x8f: {  	_ = 	snop  }
0x90: {  	s2 =	sld [smem:$0x3FD0];
	(tm) =	ssettm $0x1  }
0x91: {  	s18 =	sld [smem:$0x3FFB];
	_ =	sdelay $0x3  }
0x92: {  	_ =	strace s18  }
0x93: {  	s3 =	sld [smem:$0x3FFC];
	_ =	sdelay $0x3  }
0x94: {  	_ =	strace s3  }
0x95: {  	s3 =	sld [smem:$0x3FFD];
	_ =	sdelay $0x3  }
0x96: {  	_ =	strace s3  }
0x97: {  	_ =	strace $0x8FFFFFFF  }
0x98: {  	s19 =	sld [smem:$0x3FDB];
	_ =	sdelay $0x1  }
0x99: {  	s4 =	simm.s32 $_scs_section_size  }
0x9a: {  	s5 =	simm.s32 $_size__tile_overlayer_lowered;
	s6 =	simm.s32 $_tile_overlayer_lowered  }
0x9b: {  	s22 =	simm.s32 $0x1BFF;
	s21 =	sshll.u32 s6, $0x1;
	s3 =	sadd.s32 s4, s19  }
0x9c: {  	s7 =	simm.s32 $0x0;
	s20 =	sshll.u32 s5, $0x1;
	s5 =	sadd.s32 s21, s3  }
0x9d: {  	[timem:s7], [sflag:s22] =	dma.local [hbm:s5], s20  }
0x9e: {  	_ =	swait.ge [sflag:s22], s20  }
0x9f: {  	s4 =	ssub.s32 $0x0, s20;
	[sflag:s22] =	ssyncset.done $0x0  }
0xa0: {  	[sflag:s22] =	ssyncadd.s32 s4;
	_ =	sdelay $0x1  }
0xa1: {  	s23 =	simm.s32 $0x1B8B  }
0xa2: {  	_ =	swait.ge [sflag:s23], $0x1  }
0xa3: {  	[sflag:s23] =	ssyncset.done $0x0  }
0xa4: {  	s25 =	simm.s32 $0x1B8E;
	s24 =	sld [smem:$0x3FFE];
	[sflag:s23] =	ssyncadd.s32 $0xFFFFFFFF  }
0xa5: {  	s26 =	simm.s32 $execute0_lowered;
	[smem:$0x3FD2] =	sst s25  }
0xa6: {  	s5 =	sshll.u32 s26, $0x1;
	_ =	strace $0x80000046;
	[dreg:$0x1] =	wrdreg $0xFFFFFFFF  }
0xa7: {  	s28 =	simm.s32 $_size_execute0_lowered;
	s3 =	sadd.s32 s3, s5;
	[dreg:$0x0] =	wrdreg $0x0  }
0xa8: {  	s5 =	sshll.u32 s28, $0x1;
	[dreg:$0x2] =	wrdreg s3  }
0xa9: {  	[dreg:$0x3] =	wrdreg s5  }
0xaa: {  	[dreg:$0x4] =	wrdreg $0xC0  }
0xab: {  	_ =	task [dreg:s7], $0x5FFFF  }
0xac: {  	[dreg:$0x1] =	wrdreg $0xFFFFFFFF  }
0xad: {  	[dreg:$0x0] =	wrdreg $0x60  }
0xae: {  	[dreg:$0x2] =	wrdreg s24  }
0xaf: {  	[dreg:$0x3] =	wrdreg s2  }
0xb0: {  	[dreg:$0x4] =	wrdreg $0x9  }
0xb1: {  	_ =	task.clear_ibuf [dreg:s7], $0x5FFFF;
	_ =	strace $0x90000046  }
0xb2: {  	s29 =	simm.s32 $0x9;
	_ =	strace $0x80000048  }
0xb3: {  	_ =	swait.ge [sflag:s29], $0x1  }
0xb4: {  	[sflag:s29] =	ssyncadd.s32 $0xFFFFFFFF  }
0xb5: {  	_ =	strace $0x90000048  }
0xb6: {  	_ =	sfence  }
0xb7: {  	s30 =	sld [smem:$0x0];
	_ =	sdelay $0x2  }
0xb8: {  	s31 =	sshll.u32 s1, $0xD;
	s1 =	sshrl.u32 s1, $0x2  }
0xb9: {  	s3 =	sand.u32 $0x4000, s31;
	s1 =	sadd.s32 s1, s30  }
0xba: {  	s0 =	sor.u32 s3, s0;
	s1 =	sshll.u32 s1, $0x11  }
0xbb: {  	s0 =	sor.u32 s1, s0  }
0xbc: {  	s0 =	sadd.s32 $0x8F2B, s0  }
0xbd: {  	[sflag:s0] =	ssyncadd.remote.s32 $0x1  }
0xbe: {  	_ =	sfence.sel $0xFFFF  }
0xbf: {  	[dreg:$0x0] =	wrdreg $0xFFFFFFFF;
	(pc) =	sbr.abs _section_cstart, $3  }
0xc0: {  	[dreg:$0x1] =	wrdreg $0xFFFFFFFF  }
0xc1: {  	_ =	task.clear_ibuf [dreg:s7], $0x2FFFF;
	_ =	strace $0x9FFFFFFF  }
0xc2: {  	(tm) =	ssettm $0x7FFFFFFF  }
0xc3: {  	_ =	shalt  }
tec
execute0_lowered:
.L_overlay_start_1:
0x0: {  	(tag) =	ssettag $0x1  }
0x1: {  	s5 =	rddreg [dreg:$0x0]  }
0x2: {  	s1 =	srdreg.scid;
	s0 =	stileid.u32  }
0x3: {  	s6 =	rddreg [dreg:$0x1];
	s2 =	simm.s32 $0x0;
	s9 =	simm.s32 $0xF500  }
0x4: {  	s10 =	simm.s32 $0x11D00;
	s11 =	simm.s32 $0x17E00;
	s12 =	simm.s32 $0x1  }
0x5: {  	s13 =	simm.s32 $0x2;
	s3 =	sand.u32 $0x1, s1;
	s4 =	sshll.u32 s0, $0x1  }
0x6: {  	s14 =	simm.s32 $0x0;
	s1 =	rddreg [dreg:$0x2];
	s4 =	sor.u32 s3, s4  }
0x7: {  	v0 =	vlaneseq.u32;
	[smem:$0x7FF] =	sst s2;
	s7 =	ssub.s32 $0x2, s3;
	s3 =	smul.u32 $0x2800, s4  }
0x8: {  	v1 =	vmul.u32 $0x308, v0;
	_ =	strace $0x80000047;
	s4 =	sadd.s32 $0xC00, s5;
	s8 =	sshrl.u32 s7, $0x1  }
0x9: {  	v2 =	vand.u32 $0x7, v0;
	s5 =	sadd.s32 $0x2C00, s5;
	s7 =	ssub.s32 s7, s8;
	s31 =	sshrl.u32 s3, $0x3  }
0xa: {  	v3 =	vor.u32 $0x1, v1;
	v4 =	vadd.s32 $0x3080, v1;
	v5 =	vadd.s32 $0x3081, v1;
	s8 =	simm.s32 $0x3;
	s7 =	smax.u32 s7, $0x1;
	s6 =	sadd.s32 s6, s31  }
.LBB2_1:
0xb: {  	[tilespmem:s2], [sflag:$0x3] =	stream.linear.gather [hbm4b:s4+s2], $0xF500, $0x38;
	[tilespmem:$0x1DF00] =	vst v63  }
0xc: {  	_ =	swait.ge [sflag:s8], $0xF500  }
0xd: {  	[sflag:s8] =	ssyncset.done $0x0  }
0xe: {  	[sflag:s8] =	ssyncadd.s32 $0xFFFF0B00  }
0xf: {  	[tilespmem:s9], [sflag:$0x3] =	stream.linear.gather [hbm4b:s6+s2], $0x2800, $0x38;
	[tilespmem:$0x1DF00] =	vst v63  }
0x10: {  	_ =	swait.ge [sflag:s8], $0x2800  }
0x11: {  	[sflag:s8] =	ssyncset.done $0x0  }
0x12: {  	s15 =	simm.s32 $0x0;
	[sflag:s8] =	ssyncadd.s32 $0xFFFFD800  }
.LBB2_2:
0x13: {  	p0 =	seq.s32 s15, $0x0  }
0x14: {  	s17 =	simm.s32 @!p0 $0x1  }
0x15: {  	s16 =	sshll.u32 s15, $0x6;
	_ =	swait.ge @!p0 [sflag:s17], $0x6000  }
0x16: {  	s26 =	simm.s32 $0x1;
	s18 =	simm.s32 $0x2;
	[sflag:s17] =	ssyncset.done @!p0 $0x0  }
0x17: {  	s19 =	simm.s32 $0x3;
	s28 =	simm.s32 $0x5;
	v9 =	vxor.u32 s26, v0;
	[sflag:s17] =	ssyncadd.s32 @!p0 $0xFFFFA000  }
0x18: {  	s29 =	simm.s32 $0x7;
	s20 =	simm.s32 $0x4;
	s30 =	simm.s32 $0x6;
	v8 =	vxor.u32 s18, v0;
	v14 =	vxor.u32 s19, v0;
	v10 =	vxor.u32 s28, v0;
	v6 =	vld [tilespmem:s16+$0xF500]  }
0x19: {  	v12 =	vxor.u32 s29, v0;
	v15 =	vxor.u32 s20, v0;
	v21 =	vxor.u32 s30, v0  }
0x1a: {  	v11 =	vand.u32 $0x1F8, v10;
	v13 =	vand.u32 $0x1F8, v12;
	v16 =	vand.u32 $0x7, v12  }
0x1b: {  	v17 =	vand.u32 $0x1F8, v15;
	v18 =	vshll.u32 v8, $0x1;
	v19 =	vand.u32 $0x7, v8  }
0x1c: {  	v20 =	vand.u32 $0x7, v10;
	v22 =	vand.u32 $0x7, v14;
	v24 =	vand.u32 $0x7, v21  }
0x1d: {  	v25 =	vand.u32 $0x7, v9;
	v26 =	vand.u32 $0x7, v15;
	v6 =	vmul.u32 $0x188, v6  }
0x1e: {  	v12 =	vshll.u32 v12, $0x1;
	v15 =	vshll.u32 v15, $0x1;
	v29 =	vand.u32 $0x3FE, v18  }
0x1f: {  	v7 =	vor.u32 v2, v6;
	v13 =	vadd.s32 v6, v13;
	v17 =	vadd.s32 v6, v17  }
0x20: {  	v11 =	vadd.s32 v6, v11;
	v13 =	vor.u32 v16, v13;
	v16 =	vand.u32 $0x1F8, v8  }
0x21: {  	v8 =	vand.u32 $0x1F8, v14;
	v20 =	vor.u32 v20, v11;
	v11 =	vand.u32 $0x1F8, v21  }
0x22: {  	v26 =	vor.u32 v26, v17;
	v23 =	vadd.s32 v6, v8;
	v8 =	vand.u32 $0x1F8, v9  }
0x23: {  	v16 =	vadd.s32 v6, v16;
	v9 =	vshll.u32 v9, $0x1;
	v8 =	vadd.s32 v6, v8  }
0x24: {  	s31 =	simm.s32 $0x0;
	v25 =	vor.u32 v25, v8;
	v8 =	vshll.u32 v10, $0x1;
	v10 =	vadd.s32 v6, v11  }
0x25: {  	v9 =	vand.u32 $0x3FE, v9;
	v11 =	vxor.u32 s31, v0;
	v10 =	vor.u32 v24, v10;
	v13 =	vld.idx.msk [tilespmem:v13+s2+$0x0], $0xffff  }
0x26: {  	v19 =	vor.u32 v19, v16;
	v27 =	vand.u32 $0x3FE, v8;
	v8 =	vand.u32 $0x1F8, v11  }
0x27: {  	v23 =	vor.u32 v22, v23;
	v11 =	vshll.u32 v11, $0x1;
	v24 =	vadd.s32 v7, v8  }
0x28: {  	v18 =	vadd.s32 v3, v9;
	v28 =	vand.u32 $0x3FE, v11;
	v30 =	vadd.s32 v1, v27;
	v20 =	vld.idx.msk [tilespmem:v20+s2+$0x0], $0xffff  }
0x29: {  	v31 =	vadd.s32 v3, v27;
	v27 =	vadd.s32 v1, v9;
	v16 =	vadd.s32 v1, v28;
	v25 =	vld.idx.msk [tilespmem:v25+s2+$0x0], $0xffff  }
0x2a: {  	v32 =	vld.idx.msk [tilespmem:v10+s2+$0x0], $0xffff;
	v8 =	vunpack.i.u.bf16.f32 v13;
	v11 =	vunpack.i.l.bf16.f32 v13;
	v13 =	vshll.u32 v21, $0x1  }
0x2b: {  	v17 =	vadd.s32 v3, v28;
	v10 =	vand.u32 $0x3FE, v12;
	v13 =	vand.u32 $0x3FE, v13  }
0x2c: {  	v28 =	vshll.u32 v14, $0x1;
	v34 =	vld.idx.msk [tilespmem:v24+s2+$0x0], $0xffff;
	v21 =	vadd.s32 v1, v10;
	v33 =	vadd.s32 v1, v13  }
0x2d: {  	v9 =	vunpack.i.l.bf16.f32 v20;
	v12 =	vadd.s32 v3, v13;
	v13 =	vadd.s32 v3, v10;
	v10 =	vld.idx.msk [tilespmem:v19+s2+$0x0], $0xffff  }
0x2e: {  	v20 =	vunpack.i.u.bf16.f32 v20;
	[tilespmem:v30+s10+$0x0] =	vst.idx.msk $0xffff, v9;
	v9 =	vadd.s32 v3, v29;
	v19 =	vld.idx.msk [tilespmem:v26+s2+$0x0], $0xffff;
	v26 =	vand.u32 $0x3FE, v28  }
0x2f: {  	v14 =	vld.idx.msk [tilespmem:v23+s2+$0x0], $0xffff;
	[tilespmem:v31+s10+$0x0] =	vst.idx.msk $0xffff, v20;
	v22 =	vunpack.i.u.bf16.f32 v25;
	v24 =	vunpack.i.l.bf16.f32 v25;
	v23 =	vunpack.i.u.bf16.f32 v32  }
0x30: {  	[tilespmem:v27+s10+$0x0] =	vst.idx.msk $0xffff, v24;
	v63 =	vunpack.i.l.bf16.f32 v32;
	v27 =	vand.u32 $0x3FE, v15;
	v15 =	vadd.s32 v1, v29  }
0x31: {  	s17 =	simm.s32 $0x8;
	v24 =	vunpack.i.u.bf16.f32 v34;
	v25 =	vunpack.i.l.bf16.f32 v34;
	v20 =	vadd.s32 v3, v27;
	[tilespmem:v33+s10+$0x0] =	vst.idx.msk $0xffff, v63  }
.LBB2_3:
0x32: {  	s19 =	sadd.s32 $0x1, s17  }
0x33: {  	s20 =	sadd.s32 $0x2, s17;
	s21 =	sadd.s32 $0x3, s17;
	v28 =	vadd.s32 v1, v26;
	v27 =	vadd.s32 v1, v27;
	[tilespmem:v21+s10+$0x0] =	vst.idx.msk $0xffff, v11;
	s18 =	smov.u32 s17  }
0x34: {  	s22 =	sadd.s32 $0x6, s17;
	v21 =	vxor.u32 s19, v0;
	v11 =	vxor.u32 s20, v0;
	s19 =	sadd.s32 $0x4, s17;
	s20 =	sadd.s32 $0x5, s17;
	[tilespmem:v18+s10+$0x0] =	vst.idx.msk $0xffff, v22;
	v18 =	vadd.s32 v3, v26  }
0x35: {  	p1 =	slt.u32 s17, $0x178;
	v26 =	vxor.u32 s21, v0;
	s17 =	sadd.s32 $0x8, s17;
	v29 =	vxor.u32 s19, v0;
	v22 =	vxor.u32 s20, v0;
	s19 =	sadd.s32 $0x7, s18;
	[tilespmem:v16+s10+$0x0] =	vst.idx.msk $0xffff, v25  }
0x36: {  	v16 =	vand.u32 $0x1F8, v22;
	v25 =	vxor.u32 s19, v0;
	[tilespmem:v17+s10+$0x0] =	vst.idx.msk $0xffff, v24;
	v17 =	vunpack.i.u.bf16.f32 v14  }
0x37: {  	v31 =	vunpack.i.u.bf16.f32 v19;
	v24 =	vand.u32 $0x1F8, v25;
	v30 =	vand.u32 $0x7, v25;
	[tilespmem:v12+s10+$0x0] =	vst.idx.msk $0xffff, v23  }
0x38: {  	v12 =	vshll.u32 v11, $0x1;
	v23 =	vand.u32 $0x1F8, v29;
	v24 =	vadd.s32 v6, v24;
	[tilespmem:v13+s10+$0x0] =	vst.idx.msk $0xffff, v8  }
0x39: {  	v19 =	vunpack.i.l.bf16.f32 v19;
	v13 =	vadd.s32 v6, v23;
	v8 =	vor.u32 v30, v24  }
0x3a: {  	v23 =	vand.u32 $0x1F8, v11;
	v24 =	vand.u32 $0x7, v11;
	v11 =	vunpack.i.l.bf16.f32 v14;
	[tilespmem:v27+s10+$0x0] =	vst.idx.msk $0xffff, v19  }
0x3b: {  	v14 =	vand.u32 $0x1F8, v26;
	v19 =	vand.u32 $0x7, v22;
	v27 =	vunpack.i.u.bf16.f32 v10;
	[tilespmem:v28+s10+$0x0] =	vst.idx.msk $0xffff, v11  }
0x3c: {  	v10 =	vunpack.i.l.bf16.f32 v10;
	v11 =	vadd.s32 v6, v16;
	v16 =	vxor.u32 s22, v0;
	[tilespmem:v20+s10+$0x0] =	vst.idx.msk $0xffff, v31  }
0x3d: {  	v14 =	vadd.s32 v6, v14;
	v20 =	vand.u32 $0x7, v26;
	v11 =	vor.u32 v19, v11;
	[tilespmem:v15+s10+$0x0] =	vst.idx.msk $0xffff, v10  }
0x3e: {  	v19 =	vand.u32 $0x7, v16;
	v10 =	vand.u32 $0x1F8, v21;
	v15 =	vand.u32 $0x1F8, v16;
	v28 =	vld.idx.msk [tilespmem:v8+s2+$0x0], $0xffff;
	[tilespmem:v9+s10+$0x0] =	vst.idx.msk $0xffff, v27  }
0x3f: {  	v8 =	vand.u32 $0x7, v21;
	v9 =	vadd.s32 v6, v10;
	v10 =	vadd.s32 v6, v23;
	[tilespmem:v18+s10+$0x0] =	vst.idx.msk $0xffff, v17  }
0x40: {  	v15 =	vadd.s32 v6, v15;
	v9 =	vor.u32 v8, v9;
	v8 =	vshll.u32 v22, $0x1  }
0x41: {  	v17 =	vxor.u32 s18, v0;
	v18 =	vand.u32 $0x7, v29;
	v22 =	vand.u32 $0x3FE, v8  }
0x42: {  	v15 =	vor.u32 v19, v15;
	v8 =	vand.u32 $0x1F8, v17;
	v17 =	vshll.u32 v17, $0x1  }
0x43: {  	v30 =	vand.u32 $0x3FE, v12;
	v19 =	vadd.s32 v7, v8;
	v17 =	vand.u32 $0x3FE, v17;
	v23 =	vld.idx.msk [tilespmem:v11+s2+$0x0], $0xffff  }
0x44: {  	v27 =	vadd.s32 v1, v22;
	v8 =	vunpack.i.u.bf16.f32 v28;
	v11 =	vunpack.i.l.bf16.f32 v28  }
0x45: {  	v12 =	vshll.u32 v21, $0x1;
	v16 =	vshll.u32 v16, $0x1;
	v28 =	vadd.s32 v3, v22;
	v9 =	vld.idx.msk [tilespmem:v9+s2+$0x0], $0xffff  }
0x46: {  	v12 =	vand.u32 $0x3FE, v12;
	v16 =	vand.u32 $0x3FE, v16;
	v10 =	vor.u32 v24, v10  }
0x47: {  	v14 =	vor.u32 v20, v14;
	v20 =	vshll.u32 v25, $0x1;
	v24 =	vadd.s32 v1, v12;
	v15 =	vld.idx.msk [tilespmem:v15+s2+$0x0], $0xffff  }
0x48: {  	v31 =	vadd.s32 v1, v16;
	v25 =	vld.idx.msk [tilespmem:v19+s2+$0x0], $0xffff;
	v19 =	vor.u32 v18, v13;
	v13 =	vand.u32 $0x3FE, v20  }
0x49: {  	v18 =	vadd.s32 v3, v12;
	v12 =	vadd.s32 v3, v16;
	v21 =	vadd.s32 v1, v13  }
0x4a: {  	v16 =	vadd.s32 v1, v17;
	v20 =	vunpack.i.l.bf16.f32 v23;
	v13 =	vadd.s32 v3, v13  }
.Ltmp0:
0x4b: {  	v17 =	vadd.s32 v3, v17;
	v22 =	vunpack.i.u.bf16.f32 v9;
	v9 =	vunpack.i.l.bf16.f32 v9;
	v10 =	vld.idx.msk [tilespmem:v10+s2+$0x0], $0xffff;
	[tilespmem:v27+s10+$0x0] =	vst.idx.msk $0xffff, v20;
	(pc) =	sbr.rel @p1 .LBB2_3-.Ltmp0, $4  }
0x4c: {  	v20 =	vshll.u32 v26, $0x1;
	v26 =	vshll.u32 v29, $0x1;
	[tilespmem:v24+s10+$0x0] =	vst.idx.msk $0xffff, v9;
	v9 =	vadd.s32 v3, v30;
	v14 =	vld.idx.msk [tilespmem:v14+s2+$0x0], $0xffff  }
0x4d: {  	v29 =	vunpack.i.u.bf16.f32 v23;
	v23 =	vunpack.i.u.bf16.f32 v15;
	v32 =	vunpack.i.l.bf16.f32 v15;
	v19 =	vld.idx.msk [tilespmem:v19+s2+$0x0], $0xffff  }
0x4e: {  	v27 =	vand.u32 $0x3FE, v26;
	v24 =	vunpack.i.u.bf16.f32 v25;
	v25 =	vunpack.i.l.bf16.f32 v25;
	[tilespmem:v28+s10+$0x0] =	vst.idx.msk $0xffff, v29  }
0x4f: {  	v15 =	vadd.s32 v1, v30;
	v26 =	vand.u32 $0x3FE, v20;
	v20 =	vadd.s32 v3, v27;
	[tilespmem:v31+s10+$0x0] =	vst.idx.msk $0xffff, v32  }
0x50: {  	_ =	sdelay $0x3  }
0x51: {  	[tilespmem:v21+s10+$0x0] =	vst.idx.msk $0xffff, v11  }
0x52: {  	v6 =	vadd.s32 v1, v27;
	[tilespmem:v18+s10+$0x0] =	vst.idx.msk $0xffff, v22  }
0x53: {  	v7 =	vadd.s32 v1, v26;
	[tilespmem:v16+s10+$0x0] =	vst.idx.msk $0xffff, v25  }
0x54: {  	[tilespmem:v12+s10+$0x0] =	vst.idx.msk $0xffff, v23  }
0x55: {  	[tilespmem:v17+s10+$0x0] =	vst.idx.msk $0xffff, v24  }
0x56: {  	[tilespmem:v13+s10+$0x0] =	vst.idx.msk $0xffff, v8;
	v8 =	vunpack.i.l.bf16.f32 v19  }
0x57: {  	v11 =	vadd.s32 v3, v26;
	v12 =	vunpack.i.l.bf16.f32 v14;
	[tilespmem:v6+s10+$0x0] =	vst.idx.msk $0xffff, v8  }
0x58: {  	v6 =	vunpack.i.u.bf16.f32 v19;
	[tilespmem:v7+s10+$0x0] =	vst.idx.msk $0xffff, v12  }
0x59: {  	v7 =	vunpack.i.l.bf16.f32 v10;
	[tilespmem:v20+s10+$0x0] =	vst.idx.msk $0xffff, v6  }
0x5a: {  	v6 =	vunpack.i.u.bf16.f32 v10;
	[tilespmem:v15+s10+$0x0] =	vst.idx.msk $0xffff, v7  }
0x5b: {  	s29 =	simm.s32 $0x7;
	s30 =	simm.s32 $0x6;
	v7 =	vunpack.i.u.bf16.f32 v14;
	[tilespmem:v9+s10+$0x0] =	vst.idx.msk $0xffff, v6  }
0x5c: {  	v13 =	vxor.u32 s29, v0;
	v21 =	vxor.u32 s30, v0;
	[tilespmem:v11+s10+$0x0] =	vst.idx.msk $0xffff, v7  }
0x5d: {  	s18 =	simm.s32 $0x2;
	s19 =	simm.s32 $0x3;
	s28 =	simm.s32 $0x5;
	v16 =	vand.u32 $0x7, v13;
	v24 =	vand.u32 $0x7, v21;
	v6 =	vld [tilespmem:s16+$0xF510]  }
0x5e: {  	s20 =	simm.s32 $0x4;
	v8 =	vxor.u32 s18, v0;
	v12 =	vxor.u32 s19, v0;
	v10 =	vxor.u32 s28, v0  }
0x5f: {  	v15 =	vxor.u32 s20, v0;
	v14 =	vand.u32 $0x1F8, v13;
	v18 =	vshll.u32 v8, $0x1  }
0x60: {  	s17 =	simm.s32 $0x1;
	v19 =	vand.u32 $0x7, v8;
	v22 =	vand.u32 $0x7, v12;
	v13 =	vshll.u32 v13, $0x1  }
0x61: {  	v9 =	vxor.u32 s17, v0;
	v11 =	vand.u32 $0x1F8, v10;
	v17 =	vand.u32 $0x1F8, v15  }
0x62: {  	v20 =	vand.u32 $0x7, v10;
	v26 =	vand.u32 $0x7, v15;
	v6 =	vmul.u32 $0x188, v6  }
0x63: {  	v29 =	vand.u32 $0x3FE, v18;
	v15 =	vshll.u32 v15, $0x1;
	v25 =	vand.u32 $0x7, v9  }
0x64: {  	v7 =	vor.u32 v2, v6;
	v14 =	vadd.s32 v6, v14;
	v17 =	vadd.s32 v6, v17  }
0x65: {  	v14 =	vor.u32 v16, v14;
	v16 =	vand.u32 $0x1F8, v8;
	v8 =	vand.u32 $0x1F8, v12  }
0x66: {  	v11 =	vadd.s32 v6, v11;
	v23 =	vadd.s32 v6, v8;
	v8 =	vand.u32 $0x1F8, v9  }
0x67: {  	v20 =	vor.u32 v20, v11;
	v11 =	vand.u32 $0x1F8, v21;
	v8 =	vadd.s32 v6, v8  }
0x68: {  	s31 =	simm.s32 $0x0;
	v17 =	vor.u32 v26, v17;
	v9 =	vshll.u32 v9, $0x1;
	v25 =	vor.u32 v25, v8  }
0x69: {  	v8 =	vshll.u32 v10, $0x1;
	v10 =	vadd.s32 v6, v11;
	v11 =	vxor.u32 s31, v0  }
0x6a: {  	v27 =	vand.u32 $0x3FE, v8;
	v8 =	vand.u32 $0x1F8, v11;
	v10 =	vor.u32 v24, v10;
	v14 =	vld.idx.msk [tilespmem:v14+s2+$0x0], $0xffff  }
0x6b: {  	v16 =	vadd.s32 v6, v16;
	v9 =	vand.u32 $0x3FE, v9;
	v24 =	vadd.s32 v7, v8  }
0x6c: {  	v19 =	vor.u32 v19, v16;
	v22 =	vor.u32 v22, v23;
	v11 =	vshll.u32 v11, $0x1;
	v31 =	vld.idx.msk [tilespmem:v20+s2+$0x0], $0xffff  }
0x6d: {  	v28 =	vand.u32 $0x3FE, v11;
	v30 =	vadd.s32 v4, v27;
	v32 =	vadd.s32 v5, v27  }
0x6e: {  	v27 =	vadd.s32 v4, v9;
	v20 =	vadd.s32 v5, v9;
	v16 =	vadd.s32 v4, v28;
	v25 =	vld.idx.msk [tilespmem:v25+s2+$0x0], $0xffff  }
0x6f: {  	v33 =	vld.idx.msk [tilespmem:v10+s2+$0x0], $0xffff;
	v8 =	vunpack.i.u.bf16.f32 v14;
	v11 =	vunpack.i.l.bf16.f32 v14;
	v14 =	vshll.u32 v21, $0x1  }
0x70: {  	v18 =	vadd.s32 v5, v28;
	v10 =	vand.u32 $0x3FE, v13;
	v26 =	vld.idx.msk [tilespmem:v24+s2+$0x0], $0xffff;
	v14 =	vand.u32 $0x3FE, v14  }
0x71: {  	v21 =	vadd.s32 v4, v10;
	v9 =	vunpack.i.l.bf16.f32 v31;
	v34 =	vadd.s32 v4, v14  }
0x72: {  	v28 =	vunpack.i.u.bf16.f32 v31;
	[tilespmem:v30+s10+$0x0] =	vst.idx.msk $0xffff, v9;
	v9 =	vadd.s32 v5, v29;
	v13 =	vadd.s32 v5, v14  }
0x73: {  	v14 =	vadd.s32 v5, v10;
	v10 =	vld.idx.msk [tilespmem:v19+s2+$0x0], $0xffff;
	v19 =	vshll.u32 v12, $0x1;
	v23 =	vunpack.i.u.bf16.f32 v25  }
0x74: {  	v12 =	vld.idx.msk [tilespmem:v22+s2+$0x0], $0xffff;
	[tilespmem:v32+s10+$0x0] =	vst.idx.msk $0xffff, v28;
	v24 =	vunpack.i.l.bf16.f32 v25;
	v22 =	vunpack.i.u.bf16.f32 v33;
	v63 =	vunpack.i.l.bf16.f32 v33  }
0x75: {  	[tilespmem:v27+s10+$0x0] =	vst.idx.msk $0xffff, v24;
	v27 =	vand.u32 $0x3FE, v15;
	v15 =	vadd.s32 v4, v29;
	v24 =	vunpack.i.u.bf16.f32 v26  }
0x76: {  	s17 =	simm.s32 $0x8;
	v17 =	vld.idx.msk [tilespmem:v17+s2+$0x0], $0xffff;
	v25 =	vunpack.i.l.bf16.f32 v26;
	v26 =	vand.u32 $0x3FE, v19;
	v19 =	vadd.s32 v5, v27;
	[tilespmem:v34+s10+$0x0] =	vst.idx.msk $0xffff, v63  }
.LBB2_5:
0x77: {  	s19 =	sadd.s32 $0x1, s17  }
0x78: {  	s20 =	sadd.s32 $0x2, s17;
	s21 =	sadd.s32 $0x3, s17;
	v28 =	vadd.s32 v4, v26;
	v27 =	vadd.s32 v4, v27;
	[tilespmem:v21+s10+$0x0] =	vst.idx.msk $0xffff, v11;
	s18 =	smov.u32 s17  }
0x79: {  	s22 =	sadd.s32 $0x6, s17;
	v21 =	vxor.u32 s19, v0;
	v11 =	vxor.u32 s20, v0;
	s19 =	sadd.s32 $0x4, s17;
	s20 =	sadd.s32 $0x5, s17;
	[tilespmem:v20+s10+$0x0] =	vst.idx.msk $0xffff, v23;
	v20 =	vadd.s32 v5, v26  }
0x7a: {  	p1 =	slt.u32 s17, $0x178;
	v26 =	vxor.u32 s21, v0;
	s17 =	sadd.s32 $0x8, s17;
	v29 =	vxor.u32 s19, v0;
	v23 =	vxor.u32 s20, v0;
	s19 =	sadd.s32 $0x7, s18;
	[tilespmem:v16+s10+$0x0] =	vst.idx.msk $0xffff, v25  }
0x7b: {  	v16 =	vand.u32 $0x1F8, v23;
	v25 =	vxor.u32 s19, v0;
	[tilespmem:v18+s10+$0x0] =	vst.idx.msk $0xffff, v24;
	v18 =	vunpack.i.u.bf16.f32 v12  }
0x7c: {  	v31 =	vunpack.i.u.bf16.f32 v17;
	v24 =	vand.u32 $0x1F8, v25;
	v30 =	vand.u32 $0x7, v25;
	[tilespmem:v13+s10+$0x0] =	vst.idx.msk $0xffff, v22  }
0x7d: {  	v13 =	vshll.u32 v11, $0x1;
	v22 =	vand.u32 $0x1F8, v29;
	v24 =	vadd.s32 v6, v24;
	[tilespmem:v14+s10+$0x0] =	vst.idx.msk $0xffff, v8  }
0x7e: {  	v17 =	vunpack.i.l.bf16.f32 v17;
	v14 =	vadd.s32 v6, v22;
	v8 =	vor.u32 v30, v24  }
0x7f: {  	v22 =	vand.u32 $0x1F8, v11;
	v24 =	vand.u32 $0x7, v11;
	v11 =	vunpack.i.l.bf16.f32 v12;
	[tilespmem:v27+s10+$0x0] =	vst.idx.msk $0xffff, v17  }
0x80: {  	v12 =	vand.u32 $0x1F8, v26;
	v17 =	vand.u32 $0x7, v23;
	v27 =	vunpack.i.u.bf16.f32 v10;
	[tilespmem:v28+s10+$0x0] =	vst.idx.msk $0xffff, v11  }
0x81: {  	v10 =	vunpack.i.l.bf16.f32 v10;
	v11 =	vadd.s32 v6, v16;
	v16 =	vxor.u32 s22, v0;
	[tilespmem:v19+s10+$0x0] =	vst.idx.msk $0xffff, v31  }
0x82: {  	v12 =	vadd.s32 v6, v12;
	v19 =	vand.u32 $0x7, v26;
	v11 =	vor.u32 v17, v11;
	[tilespmem:v15+s10+$0x0] =	vst.idx.msk $0xffff, v10  }
0x83: {  	v17 =	vand.u32 $0x7, v16;
	v10 =	vand.u32 $0x1F8, v21;
	v15 =	vand.u32 $0x1F8, v16;
	v28 =	vld.idx.msk [tilespmem:v8+s2+$0x0], $0xffff;
	[tilespmem:v9+s10+$0x0] =	vst.idx.msk $0xffff, v27  }
0x84: {  	v8 =	vand.u32 $0x7, v21;
	v9 =	vadd.s32 v6, v10;
	v10 =	vadd.s32 v6, v22;
	[tilespmem:v20+s10+$0x0] =	vst.idx.msk $0xffff, v18  }
0x85: {  	v15 =	vadd.s32 v6, v15;
	v9 =	vor.u32 v8, v9;
	v8 =	vshll.u32 v23, $0x1  }
0x86: {  	v18 =	vxor.u32 s18, v0;
	v20 =	vand.u32 $0x7, v29;
	v22 =	vand.u32 $0x3FE, v8  }
0x87: {  	v15 =	vor.u32 v17, v15;
	v8 =	vand.u32 $0x1F8, v18;
	v18 =	vshll.u32 v18, $0x1  }
0x88: {  	v30 =	vand.u32 $0x3FE, v13;
	v17 =	vadd.s32 v7, v8;
	v18 =	vand.u32 $0x3FE, v18;
	v27 =	vld.idx.msk [tilespmem:v11+s2+$0x0], $0xffff  }
0x89: {  	v31 =	vadd.s32 v4, v22;
	v8 =	vunpack.i.u.bf16.f32 v28;
	v11 =	vunpack.i.l.bf16.f32 v28  }
0x8a: {  	v13 =	vshll.u32 v21, $0x1;
	v16 =	vshll.u32 v16, $0x1;
	v28 =	vadd.s32 v5, v22;
	v9 =	vld.idx.msk [tilespmem:v9+s2+$0x0], $0xffff  }
0x8b: {  	v13 =	vand.u32 $0x3FE, v13;
	v16 =	vand.u32 $0x3FE, v16;
	v10 =	vor.u32 v24, v10  }
0x8c: {  	v12 =	vor.u32 v19, v12;
	v19 =	vshll.u32 v25, $0x1;
	v22 =	vadd.s32 v4, v13;
	v15 =	vld.idx.msk [tilespmem:v15+s2+$0x0], $0xffff  }
0x8d: {  	v32 =	vadd.s32 v4, v16;
	v25 =	vld.idx.msk [tilespmem:v17+s2+$0x0], $0xffff;
	v17 =	vor.u32 v20, v14;
	v14 =	vand.u32 $0x3FE, v19  }
0x8e: {  	v20 =	vadd.s32 v5, v13;
	v13 =	vadd.s32 v5, v16;
	v21 =	vadd.s32 v4, v14  }
0x8f: {  	v16 =	vadd.s32 v4, v18;
	v19 =	vunpack.i.l.bf16.f32 v27;
	v14 =	vadd.s32 v5, v14  }
.Ltmp1:
0x90: {  	v18 =	vadd.s32 v5, v18;
	v23 =	vunpack.i.u.bf16.f32 v9;
	v9 =	vunpack.i.l.bf16.f32 v9;
	v10 =	vld.idx.msk [tilespmem:v10+s2+$0x0], $0xffff;
	[tilespmem:v31+s10+$0x0] =	vst.idx.msk $0xffff, v19;
	(pc) =	sbr.rel @p1 .LBB2_5-.Ltmp1, $4  }
0x91: {  	v19 =	vshll.u32 v26, $0x1;
	v26 =	vshll.u32 v29, $0x1;
	[tilespmem:v22+s10+$0x0] =	vst.idx.msk $0xffff, v9;
	v9 =	vadd.s32 v5, v30;
	v12 =	vld.idx.msk [tilespmem:v12+s2+$0x0], $0xffff  }
0x92: {  	v29 =	vunpack.i.u.bf16.f32 v27;
	v22 =	vunpack.i.u.bf16.f32 v15;
	v31 =	vunpack.i.l.bf16.f32 v15;
	v17 =	vld.idx.msk [tilespmem:v17+s2+$0x0], $0xffff  }
0x93: {  	v27 =	vand.u32 $0x3FE, v26;
	v24 =	vunpack.i.u.bf16.f32 v25;
	v25 =	vunpack.i.l.bf16.f32 v25;
	[tilespmem:v28+s10+$0x0] =	vst.idx.msk $0xffff, v29  }
0x94: {  	v15 =	vadd.s32 v4, v30;
	v26 =	vand.u32 $0x3FE, v19;
	v19 =	vadd.s32 v5, v27;
	[tilespmem:v32+s10+$0x0] =	vst.idx.msk $0xffff, v31  }
0x95: {  	_ =	sdelay $0x3  }
0x96: {  	[tilespmem:v21+s10+$0x0] =	vst.idx.msk $0xffff, v11  }
0x97: {  	v6 =	vadd.s32 v4, v27;
	[tilespmem:v20+s10+$0x0] =	vst.idx.msk $0xffff, v23  }
0x98: {  	v7 =	vadd.s32 v4, v26;
	[tilespmem:v16+s10+$0x0] =	vst.idx.msk $0xffff, v25  }
0x99: {  	s17 =	sadd.s32 s3, s16;
	[tilespmem:v13+s10+$0x0] =	vst.idx.msk $0xffff, v22  }
0x9a: {  	[tilespmem:v18+s10+$0x0] =	vst.idx.msk $0xffff, v24;
	s18 =	sshrl.u32 s17, $0xE  }
0x9b: {  	[tilespmem:v14+s10+$0x0] =	vst.idx.msk $0xffff, v8;
	s17 =	sand.u32 $0x3FC0, s17;
	v61 =	vunpack.i.l.bf16.f32 v17;
	s18 =	smul.u32 $0xC00000, s18  }
0x9c: {  	v62 =	vadd.s32 v5, v26;
	v63 =	vunpack.i.l.bf16.f32 v12;
	s17 =	smul.u32 $0x300, s17;
	[tilespmem:v6+s10+$0x0] =	vst.idx.msk $0xffff, v61  }
0x9d: {  	v6 =	vunpack.i.u.bf16.f32 v17;
	[tilespmem:v7+s10+$0x0] =	vst.idx.msk $0xffff, v63  }
0x9e: {  	s17 =	sadd.s32 s17, s18;
	v7 =	vunpack.i.l.bf16.f32 v10;
	[tilespmem:v19+s10+$0x0] =	vst.idx.msk $0xffff, v6  }
0x9f: {  	s17 =	sshrl.u32 s17, $0x3;
	v6 =	vunpack.i.u.bf16.f32 v10;
	[tilespmem:v15+s10+$0x0] =	vst.idx.msk $0xffff, v7  }
0xa0: {  	s19 =	simm.s32 $0x60;
	v7 =	vunpack.i.u.bf16.f32 v12;
	s17 =	sadd.s32 s5, s17;
	[tilespmem:v9+s10+$0x0] =	vst.idx.msk $0xffff, v6  }
0xa1: {  	s20 =	simm.s32 $0x12008;
	s18 =	simm.s32 $0x11D00;
	[tilespmem:v62+s10+$0x0] =	vst.idx.msk $0xffff, v7;
	s21 =	sadd.s32 $0x0, s17  }
.LBB2_7:
0xa2: {  	[hbm4b:s21+s2] =	stream.linear.scatter [tilespmem:s18], [sflag:$0x1], $0x300, $0x38;
	[tilespmem:$0x1DF00] =	vst v63  }
0xa3: {  	s21 =	smov.u32 s19;
	s18 =	smov.u32 s20;
	p1 =	sne.s32 s19, $0xBA0  }
.Ltmp2:
0xa4: {  	s19 =	sadd.s32 $0x60, s19;
	(pc) =	sbr.rel @p1 .LBB2_7-.Ltmp2, $2  }
0xa5: {  	_ =	sdelay $0x2  }
0xa6: {  	s20 =	sadd.s32 $0x308, s20;
	s21 =	sadd.s32 s21, s17  }
0xa7: {  	[hbm4b:s21+s2] =	stream.linear.scatter [tilespmem:s18], [sflag:$0x1], $0x300, $0x38;
	[tilespmem:$0x1DF00] =	vst v63  }
0xa8: {  	s18 =	simm.s32 @!p0 $0x2  }
0xa9: {  	s17 =	sor.u32 $0x20, s16;
	_ =	swait.ge @!p0 [sflag:s18], $0x6000  }
0xaa: {  	s25 =	simm.s32 $0x1;
	s19 =	simm.s32 $0x2;
	[sflag:s18] =	ssyncset.done @!p0 $0x0  }
0xab: {  	s20 =	simm.s32 $0x3;
	s26 =	simm.s32 $0x5;
	v9 =	vxor.u32 s25, v0;
	[sflag:s18] =	ssyncadd.s32 @!p0 $0xFFFFA000  }
0xac: {  	s28 =	simm.s32 $0x7;
	s29 =	simm.s32 $0x4;
	s30 =	simm.s32 $0x6;
	v8 =	vxor.u32 s19, v0;
	v14 =	vxor.u32 s20, v0;
	v10 =	vxor.u32 s26, v0;
	v6 =	vld [tilespmem:s17+$0xF500]  }
0xad: {  	v12 =	vxor.u32 s28, v0;
	v15 =	vxor.u32 s29, v0;
	v21 =	vxor.u32 s30, v0  }
0xae: {  	v11 =	vand.u32 $0x1F8, v10;
	v13 =	vand.u32 $0x1F8, v12;
	v16 =	vand.u32 $0x7, v12  }
0xaf: {  	v17 =	vand.u32 $0x1F8, v15;
	v18 =	vshll.u32 v8, $0x1;
	v19 =	vand.u32 $0x7, v8  }
0xb0: {  	v20 =	vand.u32 $0x7, v10;
	v22 =	vand.u32 $0x7, v14;
	v24 =	vand.u32 $0x7, v21  }
0xb1: {  	v25 =	vand.u32 $0x7, v9;
	v26 =	vand.u32 $0x7, v15;
	v6 =	vmul.u32 $0x188, v6  }
0xb2: {  	v12 =	vshll.u32 v12, $0x1;
	v15 =	vshll.u32 v15, $0x1;
	v29 =	vand.u32 $0x3FE, v18  }
0xb3: {  	v7 =	vor.u32 v2, v6;
	v13 =	vadd.s32 v6, v13;
	v17 =	vadd.s32 v6, v17  }
0xb4: {  	v11 =	vadd.s32 v6, v11;
	v13 =	vor.u32 v16, v13;
	v16 =	vand.u32 $0x1F8, v8  }
0xb5: {  	v8 =	vand.u32 $0x1F8, v14;
	v20 =	vor.u32 v20, v11;
	v11 =	vand.u32 $0x1F8, v21  }
0xb6: {  	v26 =	vor.u32 v26, v17;
	v23 =	vadd.s32 v6, v8;
	v8 =	vand.u32 $0x1F8, v9  }
0xb7: {  	v16 =	vadd.s32 v6, v16;
	v9 =	vshll.u32 v9, $0x1;
	v8 =	vadd.s32 v6, v8  }
0xb8: {  	s31 =	simm.s32 $0x0;
	v25 =	vor.u32 v25, v8;
	v8 =	vshll.u32 v10, $0x1;
	v10 =	vadd.s32 v6, v11  }
0xb9: {  	v9 =	vand.u32 $0x3FE, v9;
	v11 =	vxor.u32 s31, v0;
	v10 =	vor.u32 v24, v10;
	v13 =	vld.idx.msk [tilespmem:v13+s2+$0x0], $0xffff  }
0xba: {  	v19 =	vor.u32 v19, v16;
	v27 =	vand.u32 $0x3FE, v8;
	v8 =	vand.u32 $0x1F8, v11  }
0xbb: {  	v23 =	vor.u32 v22, v23;
	v11 =	vshll.u32 v11, $0x1;
	v24 =	vadd.s32 v7, v8  }
0xbc: {  	v18 =	vadd.s32 v3, v9;
	v28 =	vand.u32 $0x3FE, v11;
	v30 =	vadd.s32 v1, v27;
	v20 =	vld.idx.msk [tilespmem:v20+s2+$0x0], $0xffff  }
0xbd: {  	v31 =	vadd.s32 v3, v27;
	v27 =	vadd.s32 v1, v9;
	v16 =	vadd.s32 v1, v28;
	v25 =	vld.idx.msk [tilespmem:v25+s2+$0x0], $0xffff  }
0xbe: {  	v32 =	vld.idx.msk [tilespmem:v10+s2+$0x0], $0xffff;
	v8 =	vunpack.i.u.bf16.f32 v13;
	v11 =	vunpack.i.l.bf16.f32 v13;
	v13 =	vshll.u32 v21, $0x1  }
0xbf: {  	v17 =	vadd.s32 v3, v28;
	v10 =	vand.u32 $0x3FE, v12;
	v13 =	vand.u32 $0x3FE, v13  }
0xc0: {  	v28 =	vshll.u32 v14, $0x1;
	v34 =	vld.idx.msk [tilespmem:v24+s2+$0x0], $0xffff;
	v21 =	vadd.s32 v1, v10;
	v33 =	vadd.s32 v1, v13  }
0xc1: {  	v9 =	vunpack.i.l.bf16.f32 v20;
	v12 =	vadd.s32 v3, v13;
	v13 =	vadd.s32 v3, v10;
	v10 =	vld.idx.msk [tilespmem:v19+s2+$0x0], $0xffff  }
0xc2: {  	v20 =	vunpack.i.u.bf16.f32 v20;
	[tilespmem:v30+s11+$0x0] =	vst.idx.msk $0xffff, v9;
	v9 =	vadd.s32 v3, v29;
	v19 =	vld.idx.msk [tilespmem:v26+s2+$0x0], $0xffff;
	v26 =	vand.u32 $0x3FE, v28  }
0xc3: {  	v14 =	vld.idx.msk [tilespmem:v23+s2+$0x0], $0xffff;
	[tilespmem:v31+s11+$0x0] =	vst.idx.msk $0xffff, v20;
	v22 =	vunpack.i.u.bf16.f32 v25;
	v24 =	vunpack.i.l.bf16.f32 v25;
	v23 =	vunpack.i.u.bf16.f32 v32  }
0xc4: {  	[tilespmem:v27+s11+$0x0] =	vst.idx.msk $0xffff, v24;
	v63 =	vunpack.i.l.bf16.f32 v32;
	v27 =	vand.u32 $0x3FE, v15;
	v15 =	vadd.s32 v1, v29  }
0xc5: {  	s18 =	simm.s32 $0x8;
	v24 =	vunpack.i.u.bf16.f32 v34;
	v25 =	vunpack.i.l.bf16.f32 v34;
	v20 =	vadd.s32 v3, v27;
	[tilespmem:v33+s11+$0x0] =	vst.idx.msk $0xffff, v63  }
.LBB2_9:
0xc6: {  	s20 =	sadd.s32 $0x1, s18  }
0xc7: {  	s21 =	sadd.s32 $0x2, s18;
	s22 =	sadd.s32 $0x3, s18;
	v28 =	vadd.s32 v1, v26;
	v27 =	vadd.s32 v1, v27;
	[tilespmem:v21+s11+$0x0] =	vst.idx.msk $0xffff, v11;
	s19 =	smov.u32 s18  }
0xc8: {  	s23 =	sadd.s32 $0x6, s18;
	v21 =	vxor.u32 s20, v0;
	v11 =	vxor.u32 s21, v0;
	s20 =	sadd.s32 $0x4, s18;
	s21 =	sadd.s32 $0x5, s18;
	[tilespmem:v18+s11+$0x0] =	vst.idx.msk $0xffff, v22;
	v18 =	vadd.s32 v3, v26  }
0xc9: {  	p0 =	slt.u32 s18, $0x178;
	v26 =	vxor.u32 s22, v0;
	s18 =	sadd.s32 $0x8, s18;
	v29 =	vxor.u32 s20, v0;
	v22 =	vxor.u32 s21, v0;
	s20 =	sadd.s32 $0x7, s19;
	[tilespmem:v16+s11+$0x0] =	vst.idx.msk $0xffff, v25  }
0xca: {  	v16 =	vand.u32 $0x1F8, v22;
	v25 =	vxor.u32 s20, v0;
	[tilespmem:v17+s11+$0x0] =	vst.idx.msk $0xffff, v24;
	v17 =	vunpack.i.u.bf16.f32 v14  }
0xcb: {  	v31 =	vunpack.i.u.bf16.f32 v19;
	v24 =	vand.u32 $0x1F8, v25;
	v30 =	vand.u32 $0x7, v25;
	[tilespmem:v12+s11+$0x0] =	vst.idx.msk $0xffff, v23  }
0xcc: {  	v12 =	vshll.u32 v11, $0x1;
	v23 =	vand.u32 $0x1F8, v29;
	v24 =	vadd.s32 v6, v24;
	[tilespmem:v13+s11+$0x0] =	vst.idx.msk $0xffff, v8  }
0xcd: {  	v19 =	vunpack.i.l.bf16.f32 v19;
	v13 =	vadd.s32 v6, v23;
	v8 =	vor.u32 v30, v24  }
0xce: {  	v23 =	vand.u32 $0x1F8, v11;
	v24 =	vand.u32 $0x7, v11;
	v11 =	vunpack.i.l.bf16.f32 v14;
	[tilespmem:v27+s11+$0x0] =	vst.idx.msk $0xffff, v19  }
0xcf: {  	v14 =	vand.u32 $0x1F8, v26;
	v19 =	vand.u32 $0x7, v22;
	v27 =	vunpack.i.u.bf16.f32 v10;
	[tilespmem:v28+s11+$0x0] =	vst.idx.msk $0xffff, v11  }
0xd0: {  	v10 =	vunpack.i.l.bf16.f32 v10;
	v11 =	vadd.s32 v6, v16;
	v16 =	vxor.u32 s23, v0;
	[tilespmem:v20+s11+$0x0] =	vst.idx.msk $0xffff, v31  }
0xd1: {  	v14 =	vadd.s32 v6, v14;
	v20 =	vand.u32 $0x7, v26;
	v11 =	vor.u32 v19, v11;
	[tilespmem:v15+s11+$0x0] =	vst.idx.msk $0xffff, v10  }
0xd2: {  	v19 =	vand.u32 $0x7, v16;
	v10 =	vand.u32 $0x1F8, v21;
	v15 =	vand.u32 $0x1F8, v16;
	v28 =	vld.idx.msk [tilespmem:v8+s2+$0x0], $0xffff;
	[tilespmem:v9+s11+$0x0] =	vst.idx.msk $0xffff, v27  }
0xd3: {  	v8 =	vand.u32 $0x7, v21;
	v9 =	vadd.s32 v6, v10;
	v10 =	vadd.s32 v6, v23;
	[tilespmem:v18+s11+$0x0] =	vst.idx.msk $0xffff, v17  }
0xd4: {  	v15 =	vadd.s32 v6, v15;
	v9 =	vor.u32 v8, v9;
	v8 =	vshll.u32 v22, $0x1  }
0xd5: {  	v17 =	vxor.u32 s19, v0;
	v18 =	vand.u32 $0x7, v29;
	v22 =	vand.u32 $0x3FE, v8  }
0xd6: {  	v15 =	vor.u32 v19, v15;
	v8 =	vand.u32 $0x1F8, v17;
	v17 =	vshll.u32 v17, $0x1  }
0xd7: {  	v30 =	vand.u32 $0x3FE, v12;
	v19 =	vadd.s32 v7, v8;
	v17 =	vand.u32 $0x3FE, v17;
	v23 =	vld.idx.msk [tilespmem:v11+s2+$0x0], $0xffff  }
0xd8: {  	v27 =	vadd.s32 v1, v22;
	v8 =	vunpack.i.u.bf16.f32 v28;
	v11 =	vunpack.i.l.bf16.f32 v28  }
0xd9: {  	v12 =	vshll.u32 v21, $0x1;
	v16 =	vshll.u32 v16, $0x1;
	v28 =	vadd.s32 v3, v22;
	v9 =	vld.idx.msk [tilespmem:v9+s2+$0x0], $0xffff  }
0xda: {  	v12 =	vand.u32 $0x3FE, v12;
	v16 =	vand.u32 $0x3FE, v16;
	v10 =	vor.u32 v24, v10  }
0xdb: {  	v14 =	vor.u32 v20, v14;
	v20 =	vshll.u32 v25, $0x1;
	v24 =	vadd.s32 v1, v12;
	v15 =	vld.idx.msk [tilespmem:v15+s2+$0x0], $0xffff  }
0xdc: {  	v31 =	vadd.s32 v1, v16;
	v25 =	vld.idx.msk [tilespmem:v19+s2+$0x0], $0xffff;
	v19 =	vor.u32 v18, v13;
	v13 =	vand.u32 $0x3FE, v20  }
0xdd: {  	v18 =	vadd.s32 v3, v12;
	v12 =	vadd.s32 v3, v16;
	v21 =	vadd.s32 v1, v13  }
0xde: {  	v16 =	vadd.s32 v1, v17;
	v20 =	vunpack.i.l.bf16.f32 v23;
	v13 =	vadd.s32 v3, v13  }
.Ltmp3:
0xdf: {  	v17 =	vadd.s32 v3, v17;
	v22 =	vunpack.i.u.bf16.f32 v9;
	v9 =	vunpack.i.l.bf16.f32 v9;
	v10 =	vld.idx.msk [tilespmem:v10+s2+$0x0], $0xffff;
	[tilespmem:v27+s11+$0x0] =	vst.idx.msk $0xffff, v20;
	(pc) =	sbr.rel @p0 .LBB2_9-.Ltmp3, $4  }
0xe0: {  	v20 =	vshll.u32 v26, $0x1;
	v26 =	vshll.u32 v29, $0x1;
	[tilespmem:v24+s11+$0x0] =	vst.idx.msk $0xffff, v9;
	v9 =	vadd.s32 v3, v30;
	v14 =	vld.idx.msk [tilespmem:v14+s2+$0x0], $0xffff  }
0xe1: {  	v29 =	vunpack.i.u.bf16.f32 v23;
	v23 =	vunpack.i.u.bf16.f32 v15;
	v32 =	vunpack.i.l.bf16.f32 v15;
	v19 =	vld.idx.msk [tilespmem:v19+s2+$0x0], $0xffff  }
0xe2: {  	v27 =	vand.u32 $0x3FE, v26;
	v24 =	vunpack.i.u.bf16.f32 v25;
	v25 =	vunpack.i.l.bf16.f32 v25;
	[tilespmem:v28+s11+$0x0] =	vst.idx.msk $0xffff, v29  }
0xe3: {  	v15 =	vadd.s32 v1, v30;
	v26 =	vand.u32 $0x3FE, v20;
	v20 =	vadd.s32 v3, v27;
	[tilespmem:v31+s11+$0x0] =	vst.idx.msk $0xffff, v32  }
0xe4: {  	_ =	sdelay $0x3  }
0xe5: {  	[tilespmem:v21+s11+$0x0] =	vst.idx.msk $0xffff, v11  }
0xe6: {  	v6 =	vadd.s32 v1, v27;
	[tilespmem:v18+s11+$0x0] =	vst.idx.msk $0xffff, v22  }
0xe7: {  	v7 =	vadd.s32 v1, v26;
	[tilespmem:v16+s11+$0x0] =	vst.idx.msk $0xffff, v25  }
0xe8: {  	[tilespmem:v12+s11+$0x0] =	vst.idx.msk $0xffff, v23  }
0xe9: {  	[tilespmem:v17+s11+$0x0] =	vst.idx.msk $0xffff, v24  }
0xea: {  	[tilespmem:v13+s11+$0x0] =	vst.idx.msk $0xffff, v8;
	v8 =	vunpack.i.l.bf16.f32 v19  }
0xeb: {  	v11 =	vadd.s32 v3, v26;
	v12 =	vunpack.i.l.bf16.f32 v14;
	[tilespmem:v6+s11+$0x0] =	vst.idx.msk $0xffff, v8  }
0xec: {  	v6 =	vunpack.i.u.bf16.f32 v19;
	[tilespmem:v7+s11+$0x0] =	vst.idx.msk $0xffff, v12  }
0xed: {  	v7 =	vunpack.i.l.bf16.f32 v10;
	[tilespmem:v20+s11+$0x0] =	vst.idx.msk $0xffff, v6  }
0xee: {  	v6 =	vunpack.i.u.bf16.f32 v10;
	[tilespmem:v15+s11+$0x0] =	vst.idx.msk $0xffff, v7  }
0xef: {  	s29 =	simm.s32 $0x7;
	s30 =	simm.s32 $0x6;
	v7 =	vunpack.i.u.bf16.f32 v14;
	[tilespmem:v9+s11+$0x0] =	vst.idx.msk $0xffff, v6  }
0xf0: {  	v13 =	vxor.u32 s29, v0;
	v21 =	vxor.u32 s30, v0;
	[tilespmem:v11+s11+$0x0] =	vst.idx.msk $0xffff, v7  }
0xf1: {  	s18 =	simm.s32 $0x2;
	s19 =	simm.s32 $0x3;
	s28 =	simm.s32 $0x5;
	v16 =	vand.u32 $0x7, v13;
	v24 =	vand.u32 $0x7, v21;
	v6 =	vld [tilespmem:s16+$0xF530]  }
0xf2: {  	s20 =	simm.s32 $0x4;
	v8 =	vxor.u32 s18, v0;
	v12 =	vxor.u32 s19, v0;
	v10 =	vxor.u32 s28, v0  }
0xf3: {  	v15 =	vxor.u32 s20, v0;
	v14 =	vand.u32 $0x1F8, v13;
	v18 =	vshll.u32 v8, $0x1  }
0xf4: {  	s26 =	simm.s32 $0x1;
	v19 =	vand.u32 $0x7, v8;
	v22 =	vand.u32 $0x7, v12;
	v13 =	vshll.u32 v13, $0x1  }
0xf5: {  	v9 =	vxor.u32 s26, v0;
	v11 =	vand.u32 $0x1F8, v10;
	v17 =	vand.u32 $0x1F8, v15  }
0xf6: {  	v20 =	vand.u32 $0x7, v10;
	v26 =	vand.u32 $0x7, v15;
	v6 =	vmul.u32 $0x188, v6  }
0xf7: {  	v29 =	vand.u32 $0x3FE, v18;
	v15 =	vshll.u32 v15, $0x1;
	v25 =	vand.u32 $0x7, v9  }
0xf8: {  	v7 =	vor.u32 v2, v6;
	v14 =	vadd.s32 v6, v14;
	v17 =	vadd.s32 v6, v17  }
0xf9: {  	v14 =	vor.u32 v16, v14;
	v16 =	vand.u32 $0x1F8, v8;
	v8 =	vand.u32 $0x1F8, v12  }
0xfa: {  	v11 =	vadd.s32 v6, v11;
	v23 =	vadd.s32 v6, v8;
	v8 =	vand.u32 $0x1F8, v9  }
0xfb: {  	v20 =	vor.u32 v20, v11;
	v11 =	vand.u32 $0x1F8, v21;
	v8 =	vadd.s32 v6, v8  }
0xfc: {  	s31 =	simm.s32 $0x0;
	v17 =	vor.u32 v26, v17;
	v9 =	vshll.u32 v9, $0x1;
	v25 =	vor.u32 v25, v8  }
0xfd: {  	v8 =	vshll.u32 v10, $0x1;
	v10 =	vadd.s32 v6, v11;
	v11 =	vxor.u32 s31, v0  }
0xfe: {  	v27 =	vand.u32 $0x3FE, v8;
	v8 =	vand.u32 $0x1F8, v11;
	v10 =	vor.u32 v24, v10;
	v14 =	vld.idx.msk [tilespmem:v14+s2+$0x0], $0xffff  }
0xff: {  	v16 =	vadd.s32 v6, v16;
	v9 =	vand.u32 $0x3FE, v9;
	v24 =	vadd.s32 v7, v8  }
0x100: {  	v19 =	vor.u32 v19, v16;
	v22 =	vor.u32 v22, v23;
	v11 =	vshll.u32 v11, $0x1;
	v31 =	vld.idx.msk [tilespmem:v20+s2+$0x0], $0xffff  }
0x101: {  	v28 =	vand.u32 $0x3FE, v11;
	v30 =	vadd.s32 v4, v27;
	v32 =	vadd.s32 v5, v27  }
0x102: {  	v27 =	vadd.s32 v4, v9;
	v20 =	vadd.s32 v5, v9;
	v16 =	vadd.s32 v4, v28;
	v25 =	vld.idx.msk [tilespmem:v25+s2+$0x0], $0xffff  }
0x103: {  	v33 =	vld.idx.msk [tilespmem:v10+s2+$0x0], $0xffff;
	v8 =	vunpack.i.u.bf16.f32 v14;
	v11 =	vunpack.i.l.bf16.f32 v14;
	v14 =	vshll.u32 v21, $0x1  }
0x104: {  	v18 =	vadd.s32 v5, v28;
	v10 =	vand.u32 $0x3FE, v13;
	v26 =	vld.idx.msk [tilespmem:v24+s2+$0x0], $0xffff;
	v14 =	vand.u32 $0x3FE, v14  }
0x105: {  	v21 =	vadd.s32 v4, v10;
	v9 =	vunpack.i.l.bf16.f32 v31;
	v34 =	vadd.s32 v4, v14  }
0x106: {  	v28 =	vunpack.i.u.bf16.f32 v31;
	[tilespmem:v30+s11+$0x0] =	vst.idx.msk $0xffff, v9;
	v9 =	vadd.s32 v5, v29;
	v13 =	vadd.s32 v5, v14  }
0x107: {  	v14 =	vadd.s32 v5, v10;
	v10 =	vld.idx.msk [tilespmem:v19+s2+$0x0], $0xffff;
	v19 =	vshll.u32 v12, $0x1;
	v23 =	vunpack.i.u.bf16.f32 v25  }
0x108: {  	v12 =	vld.idx.msk [tilespmem:v22+s2+$0x0], $0xffff;
	[tilespmem:v32+s11+$0x0] =	vst.idx.msk $0xffff, v28;
	v24 =	vunpack.i.l.bf16.f32 v25;
	v22 =	vunpack.i.u.bf16.f32 v33;
	v63 =	vunpack.i.l.bf16.f32 v33  }
0x109: {  	[tilespmem:v27+s11+$0x0] =	vst.idx.msk $0xffff, v24;
	v27 =	vand.u32 $0x3FE, v15;
	v15 =	vadd.s32 v4, v29;
	v24 =	vunpack.i.u.bf16.f32 v26  }
0x10a: {  	s16 =	simm.s32 $0x8;
	v17 =	vld.idx.msk [tilespmem:v17+s2+$0x0], $0xffff;
	v25 =	vunpack.i.l.bf16.f32 v26;
	v26 =	vand.u32 $0x3FE, v19;
	v19 =	vadd.s32 v5, v27;
	[tilespmem:v34+s11+$0x0] =	vst.idx.msk $0xffff, v63  }
.LBB2_11:
0x10b: {  	s19 =	sadd.s32 $0x1, s16  }
0x10c: {  	s20 =	sadd.s32 $0x2, s16;
	s21 =	sadd.s32 $0x3, s16;
	v28 =	vadd.s32 v4, v26;
	v27 =	vadd.s32 v4, v27;
	[tilespmem:v21+s11+$0x0] =	vst.idx.msk $0xffff, v11;
	s18 =	smov.u32 s16  }
0x10d: {  	s22 =	sadd.s32 $0x6, s16;
	v21 =	vxor.u32 s19, v0;
	v11 =	vxor.u32 s20, v0;
	s19 =	sadd.s32 $0x4, s16;
	s20 =	sadd.s32 $0x5, s16;
	[tilespmem:v20+s11+$0x0] =	vst.idx.msk $0xffff, v23;
	v20 =	vadd.s32 v5, v26  }
0x10e: {  	p0 =	slt.u32 s16, $0x178;
	v26 =	vxor.u32 s21, v0;
	s16 =	sadd.s32 $0x8, s16;
	v29 =	vxor.u32 s19, v0;
	v23 =	vxor.u32 s20, v0;
	s19 =	sadd.s32 $0x7, s18;
	[tilespmem:v16+s11+$0x0] =	vst.idx.msk $0xffff, v25  }
0x10f: {  	v16 =	vand.u32 $0x1F8, v23;
	v25 =	vxor.u32 s19, v0;
	[tilespmem:v18+s11+$0x0] =	vst.idx.msk $0xffff, v24;
	v18 =	vunpack.i.u.bf16.f32 v12  }
0x110: {  	v31 =	vunpack.i.u.bf16.f32 v17;
	v24 =	vand.u32 $0x1F8, v25;
	v30 =	vand.u32 $0x7, v25;
	[tilespmem:v13+s11+$0x0] =	vst.idx.msk $0xffff, v22  }
0x111: {  	v13 =	vshll.u32 v11, $0x1;
	v22 =	vand.u32 $0x1F8, v29;
	v24 =	vadd.s32 v6, v24;
	[tilespmem:v14+s11+$0x0] =	vst.idx.msk $0xffff, v8  }
0x112: {  	v17 =	vunpack.i.l.bf16.f32 v17;
	v14 =	vadd.s32 v6, v22;
	v8 =	vor.u32 v30, v24  }
0x113: {  	v22 =	vand.u32 $0x1F8, v11;
	v24 =	vand.u32 $0x7, v11;
	v11 =	vunpack.i.l.bf16.f32 v12;
	[tilespmem:v27+s11+$0x0] =	vst.idx.msk $0xffff, v17  }
0x114: {  	v12 =	vand.u32 $0x1F8, v26;
	v17 =	vand.u32 $0x7, v23;
	v27 =	vunpack.i.u.bf16.f32 v10;
	[tilespmem:v28+s11+$0x0] =	vst.idx.msk $0xffff, v11  }
0x115: {  	v10 =	vunpack.i.l.bf16.f32 v10;
	v11 =	vadd.s32 v6, v16;
	v16 =	vxor.u32 s22, v0;
	[tilespmem:v19+s11+$0x0] =	vst.idx.msk $0xffff, v31  }
0x116: {  	v12 =	vadd.s32 v6, v12;
	v19 =	vand.u32 $0x7, v26;
	v11 =	vor.u32 v17, v11;
	[tilespmem:v15+s11+$0x0] =	vst.idx.msk $0xffff, v10  }
0x117: {  	v17 =	vand.u32 $0x7, v16;
	v10 =	vand.u32 $0x1F8, v21;
	v15 =	vand.u32 $0x1F8, v16;
	v28 =	vld.idx.msk [tilespmem:v8+s2+$0x0], $0xffff;
	[tilespmem:v9+s11+$0x0] =	vst.idx.msk $0xffff, v27  }
0x118: {  	v8 =	vand.u32 $0x7, v21;
	v9 =	vadd.s32 v6, v10;
	v10 =	vadd.s32 v6, v22;
	[tilespmem:v20+s11+$0x0] =	vst.idx.msk $0xffff, v18  }
0x119: {  	v15 =	vadd.s32 v6, v15;
	v9 =	vor.u32 v8, v9;
	v8 =	vshll.u32 v23, $0x1  }
0x11a: {  	v18 =	vxor.u32 s18, v0;
	v20 =	vand.u32 $0x7, v29;
	v22 =	vand.u32 $0x3FE, v8  }
0x11b: {  	v15 =	vor.u32 v17, v15;
	v8 =	vand.u32 $0x1F8, v18;
	v18 =	vshll.u32 v18, $0x1  }
0x11c: {  	v30 =	vand.u32 $0x3FE, v13;
	v17 =	vadd.s32 v7, v8;
	v18 =	vand.u32 $0x3FE, v18;
	v27 =	vld.idx.msk [tilespmem:v11+s2+$0x0], $0xffff  }
0x11d: {  	v31 =	vadd.s32 v4, v22;
	v8 =	vunpack.i.u.bf16.f32 v28;
	v11 =	vunpack.i.l.bf16.f32 v28  }
0x11e: {  	v13 =	vshll.u32 v21, $0x1;
	v16 =	vshll.u32 v16, $0x1;
	v28 =	vadd.s32 v5, v22;
	v9 =	vld.idx.msk [tilespmem:v9+s2+$0x0], $0xffff  }
0x11f: {  	v13 =	vand.u32 $0x3FE, v13;
	v16 =	vand.u32 $0x3FE, v16;
	v10 =	vor.u32 v24, v10  }
0x120: {  	v12 =	vor.u32 v19, v12;
	v19 =	vshll.u32 v25, $0x1;
	v22 =	vadd.s32 v4, v13;
	v15 =	vld.idx.msk [tilespmem:v15+s2+$0x0], $0xffff  }
0x121: {  	v32 =	vadd.s32 v4, v16;
	v25 =	vld.idx.msk [tilespmem:v17+s2+$0x0], $0xffff;
	v17 =	vor.u32 v20, v14;
	v14 =	vand.u32 $0x3FE, v19  }
0x122: {  	v20 =	vadd.s32 v5, v13;
	v13 =	vadd.s32 v5, v16;
	v21 =	vadd.s32 v4, v14  }
0x123: {  	v16 =	vadd.s32 v4, v18;
	v19 =	vunpack.i.l.bf16.f32 v27;
	v14 =	vadd.s32 v5, v14  }
.Ltmp4:
0x124: {  	v18 =	vadd.s32 v5, v18;
	v23 =	vunpack.i.u.bf16.f32 v9;
	v9 =	vunpack.i.l.bf16.f32 v9;
	v10 =	vld.idx.msk [tilespmem:v10+s2+$0x0], $0xffff;
	[tilespmem:v31+s11+$0x0] =	vst.idx.msk $0xffff, v19;
	(pc) =	sbr.rel @p0 .LBB2_11-.Ltmp4, $4  }
0x125: {  	v19 =	vshll.u32 v26, $0x1;
	v26 =	vshll.u32 v29, $0x1;
	[tilespmem:v22+s11+$0x0] =	vst.idx.msk $0xffff, v9;
	v9 =	vadd.s32 v5, v30;
	v12 =	vld.idx.msk [tilespmem:v12+s2+$0x0], $0xffff  }
0x126: {  	v29 =	vunpack.i.u.bf16.f32 v27;
	v22 =	vunpack.i.u.bf16.f32 v15;
	v31 =	vunpack.i.l.bf16.f32 v15;
	v17 =	vld.idx.msk [tilespmem:v17+s2+$0x0], $0xffff  }
0x127: {  	v27 =	vand.u32 $0x3FE, v26;
	v24 =	vunpack.i.u.bf16.f32 v25;
	v25 =	vunpack.i.l.bf16.f32 v25;
	[tilespmem:v28+s11+$0x0] =	vst.idx.msk $0xffff, v29  }
0x128: {  	v15 =	vadd.s32 v4, v30;
	v26 =	vand.u32 $0x3FE, v19;
	v19 =	vadd.s32 v5, v27;
	[tilespmem:v32+s11+$0x0] =	vst.idx.msk $0xffff, v31  }
0x129: {  	_ =	sdelay $0x3  }
0x12a: {  	[tilespmem:v21+s11+$0x0] =	vst.idx.msk $0xffff, v11  }
0x12b: {  	v6 =	vadd.s32 v4, v27;
	[tilespmem:v20+s11+$0x0] =	vst.idx.msk $0xffff, v23  }
0x12c: {  	v7 =	vadd.s32 v4, v26;
	[tilespmem:v16+s11+$0x0] =	vst.idx.msk $0xffff, v25  }
0x12d: {  	s16 =	sadd.s32 s3, s17;
	[tilespmem:v13+s11+$0x0] =	vst.idx.msk $0xffff, v22  }
0x12e: {  	[tilespmem:v18+s11+$0x0] =	vst.idx.msk $0xffff, v24;
	s17 =	sshrl.u32 s16, $0xE  }
0x12f: {  	[tilespmem:v14+s11+$0x0] =	vst.idx.msk $0xffff, v8;
	s16 =	sand.u32 $0x3FE0, s16;
	v61 =	vunpack.i.l.bf16.f32 v17;
	s17 =	smul.u32 $0xC00000, s17  }
0x130: {  	v62 =	vadd.s32 v5, v26;
	v63 =	vunpack.i.l.bf16.f32 v12;
	s16 =	smul.u32 $0x300, s16;
	[tilespmem:v6+s11+$0x0] =	vst.idx.msk $0xffff, v61  }
0x131: {  	v6 =	vunpack.i.u.bf16.f32 v17;
	[tilespmem:v7+s11+$0x0] =	vst.idx.msk $0xffff, v63  }
0x132: {  	s16 =	sadd.s32 s16, s17;
	v7 =	vunpack.i.l.bf16.f32 v10;
	[tilespmem:v19+s11+$0x0] =	vst.idx.msk $0xffff, v6  }
0x133: {  	s16 =	sshrl.u32 s16, $0x3;
	v6 =	vunpack.i.u.bf16.f32 v10;
	[tilespmem:v15+s11+$0x0] =	vst.idx.msk $0xffff, v7  }
0x134: {  	s18 =	simm.s32 $0x60;
	v7 =	vunpack.i.u.bf16.f32 v12;
	s16 =	sadd.s32 s5, s16;
	[tilespmem:v9+s11+$0x0] =	vst.idx.msk $0xffff, v6  }
0x135: {  	s19 =	simm.s32 $0x18108;
	s17 =	simm.s32 $0x17E00;
	[tilespmem:v62+s11+$0x0] =	vst.idx.msk $0xffff, v7;
	s20 =	sadd.s32 $0x0, s16  }
.LBB2_13:
0x136: {  	[hbm4b:s20+s2] =	stream.linear.scatter [tilespmem:s17], [sflag:$0x2], $0x300, $0x38;
	[tilespmem:$0x1DF00] =	vst v63  }
0x137: {  	s20 =	smov.u32 s18;
	s17 =	smov.u32 s19;
	p0 =	sne.s32 s18, $0xBA0  }
.Ltmp5:
0x138: {  	s18 =	sadd.s32 $0x60, s18;
	(pc) =	sbr.rel @p0 .LBB2_13-.Ltmp5, $2  }
0x139: {  	_ =	sdelay $0x2  }
0x13a: {  	s19 =	sadd.s32 $0x308, s19;
	s20 =	sadd.s32 s20, s16  }
0x13b: {  	s15 =	sadd.s32 $0x1, s15  }
0x13c: {  	p0 =	sne.s32 s15, $0xA0  }
.Ltmp6:
0x13d: {  	_ = 	snop;
	(pc) =	sbr.rel @p0 .LBB2_2-.Ltmp6, $2  }
0x13e: {  	_ =	sdelay $0x2  }
0x13f: {  	[hbm4b:s20+s2] =	stream.linear.scatter [tilespmem:s17], [sflag:$0x2], $0x300, $0x38;
	[tilespmem:$0x1DF00] =	vst v63  }
0x140: {  	s14 =	sadd.s32 $0x1, s14  }
0x141: {  	_ =	swait.ge [sflag:s12], $0x6000;
	p0 =	sne.s32 s14, s7  }
.Ltmp7:
0x142: {  	[sflag:s12] =	ssyncset.done $0x0;
	(pc) =	sbr.rel @p0 .LBB2_1-.Ltmp7, $4  }
0x143: {  	[sflag:s12] =	ssyncadd.s32 $0xFFFFA000  }
0x144: {  	_ =	swait.ge [sflag:s13], $0x6000  }
0x145: {  	[sflag:s13] =	ssyncset.done $0x0  }
0x146: {  	[sflag:s13] =	ssyncadd.s32 $0xFFFFA000  }
0x147: {  	_ =	sfence.sel $0x180000  }
0x148: {  	[bflag:$0x0] =	sbarrier.arrive $0xFFFF  }
0x149: {  	p0 =	sne.s32 s0, $0x0;
	_ =	strace $0x90000047  }
0x14a: {  	s0 =	sadd.s32 @!p0 $0x100000, s1;
	[bflag:$0x2] =	sbarrier.arrive $0xFFFF  }
0x14b: {  	[sflag:s0] =	ssyncadd.tile.s32 @!p0 $0x1;
	_ =	shalt  }
.Lfunc_end2:
_tile_overlayer_lowered:
.L_overlay_start_2:
0x14c: {  	(tag) =	ssettag $0x2  }
0x14d: {  	s0 =	rddreg [dreg:$0x0];
	s2 =	stileid.u32  }
0x14e: {  	s1 =	rddreg [dreg:$0x1];
	p0 =	sne.s32 s2, $0x0  }
0x14f: {  	s3 =	rddreg [dreg:$0x2];
	[bflag:$0x3] =	sbarrier.arrive $0xFFFF;
	s2 =	simm.s32 @!p0 $0x1C03  }
0x150: {  	[timem:s3], [sflag:s2] =	dma.local @!p0 [hbm:s0], s1  }
0x151: {  	s0 =	simm.s32 @!p0 $0x3  }
0x152: {  	_ =	swait.ge @!p0 [sflag:s0], s1  }
0x153: {  	s1 =	ssub.s32 @!p0 $0x0, s1;
	[sflag:s0] =	ssyncset.done @!p0 $0x0  }
0x154: {  	[sflag:s0] =	ssyncadd.s32 @!p0 s1  }
0x155: {  	[bflag:$0x3] =	sbarrier.arrive $0xFFFF  }
0x156: {  	_ =	shalt  }

</sc_bundles>
